<compile_context>
chip_gen: v7x
topology: tpu7x:2x2x1
jax: 0.10.2.dev20260603
libtpu: 0.0.44.dev20260713+nightly
codegen_flags: <defaults>
</compile_context>

<pallas_src>
import functools

import jax
import jax.numpy as jnp
from jax import lax
from jax.experimental import pallas as pl
from jax.experimental.pallas import tpu as pltpu
from jax.experimental.pallas import tpu_sc as plsc

N_NODES = 10000
N_EDGES = 320000
D = 128

NC = 2
NS = 16
NW = NC * NS
NPAD = 10240
RPT = NPAD // NS
EW = N_EDGES // NW

KD = 80
ITD = EW // KD
KP = 80
ITP = EW // KP
NBUF = 1

_sc_mesh = plsc.VectorSubcoreMesh(core_axis_name="c", subcore_axis_name="s",
                                  num_cores=NC, num_subcores=NS)



@functools.partial(
    pl.kernel,
    out_type=jax.ShapeDtypeStruct((NC * NPAD,), jnp.float32),
    mesh=_sc_mesh,
    scratch_types=[
        pltpu.VMEM((ITD, KD), jnp.int32),
        pltpu.VMEM((KD,), jnp.float32),
        pltpu.SemaphoreType.DMA,
        pltpu.SemaphoreType.DMA,
        pltpu.VMEM_SHARED((NPAD,), jnp.float32),
    ],
)
def _deg_kernel(dst_hbm, zrow_hbm, deg_out, dst_v, ones_v, isem, ssem,
                deg_sp):
    c = lax.axis_index("c")
    s = lax.axis_index("s")
    wid = s * NC + c
    pltpu.async_copy(dst_hbm.at[wid], dst_v, isem)
    for j in range(KD // 16):
        ones_v[pl.ds(j * 16, 16)] = jnp.full((16,), 1.0, jnp.float32)
    pltpu.sync_copy(zrow_hbm.at[pl.ds(s * RPT, RPT)],
                    deg_sp.at[pl.ds(s * RPT, RPT)])
    pltpu.make_async_copy(dst_hbm.at[wid], dst_v, isem).wait()
    plsc.subcore_barrier()

    def body(g, carry):
        descs = [pltpu.async_copy(ones_v, deg_sp.at[dst_v.at[g * 5 + k]],
                                  ssem, add=True) for k in range(5)]
        for d in descs:
            d.wait()
        return carry

    lax.fori_loop(0, ITD // 5, body, 0)
    plsc.subcore_barrier()
    pltpu.sync_copy(deg_sp.at[pl.ds(s * RPT, RPT)],
                    deg_out.at[pl.ds(c * NPAD + s * RPT, RPT)])



@functools.partial(
    pl.kernel,
    out_type=jax.ShapeDtypeStruct((NC * NPAD, D), jnp.float32),
    mesh=_sc_mesh,
    scratch_types=[
        pltpu.VMEM((EW,), jnp.int32),
        pltpu.VMEM((ITP, KP), jnp.int32),
        pltpu.VMEM((2, KP, D), jnp.float32),
        pltpu.SemaphoreType.DMA,
        pltpu.SemaphoreType.DMA,
        pltpu.SemaphoreType.DMA,
        pltpu.VMEM_SHARED((NPAD, D), jnp.float32),
    ],
)
def _prop_kernel(scaled_hbm, src_hbm, dst_hbm, zacc_hbm,
                 acc_out, src_v, dst_v, rows2, gsem, ssem, isem, acc_sp):
    c = lax.axis_index("c")
    s = lax.axis_index("s")
    wid = s * NC + c
    pltpu.async_copy(src_hbm.at[wid], src_v, isem)
    pltpu.async_copy(dst_hbm.at[wid], dst_v, isem)
    pltpu.sync_copy(zacc_hbm.at[pl.ds(s * RPT, RPT)],
                    acc_sp.at[pl.ds(s * RPT, RPT)])
    pltpu.make_async_copy(src_hbm.at[wid], src_v, isem).wait()
    pltpu.make_async_copy(dst_hbm.at[wid], dst_v, isem).wait()
    plsc.subcore_barrier()

    def round_body(j, carry):
        d0 = pltpu.async_copy(
            scaled_hbm.at[src_v.at[pl.ds(2 * j * KP, KP)]],
            rows2.at[0], gsem)
        d1 = pltpu.async_copy(
            scaled_hbm.at[src_v.at[pl.ds((2 * j + 1) * KP, KP)]],
            rows2.at[1], gsem)
        d0.wait()
        s0 = pltpu.async_copy(rows2.at[0], acc_sp.at[dst_v.at[2 * j]],
                              ssem, add=True)
        d1.wait()
        s1 = pltpu.async_copy(rows2.at[1], acc_sp.at[dst_v.at[2 * j + 1]],
                              ssem, add=True)
        s0.wait()
        s1.wait()
        return carry

    lax.fori_loop(0, ITP // 2, round_body, 0)
    pltpu.async_copy(scaled_hbm.at[src_v.at[pl.ds((ITP - 1) * KP, KP)]],
                     rows2.at[0], gsem).wait()
    pltpu.sync_copy(rows2.at[0], acc_sp.at[dst_v.at[ITP - 1]], add=True)

    plsc.subcore_barrier()
    pltpu.sync_copy(acc_sp.at[pl.ds(s * RPT, RPT)],
                    acc_out.at[pl.ds(c * NPAD + s * RPT, RPT)])



def _prep_body(h_ref, x_ref, wh_ref, wx_ref, degt_ref, out_ref):
    w1 = jnp.mean(wh_ref[...], axis=0)
    w2 = jnp.mean(wx_ref[...], axis=0)
    feat = jnp.dot(h_ref[...], w1, preferred_element_type=jnp.float32)
    feat = feat + jnp.dot(x_ref[...], w2, preferred_element_type=jnp.float32)
    deg = degt_ref[:, 0] + degt_ref[:, 1] + 1.0
    dinv = lax.rsqrt(deg)
    out_ref[...] = feat * dinv[:, None]


_BR = 400


def _prep(h, x, Wh, Wx, degt):
    return pl.pallas_call(
        _prep_body,
        grid=(N_NODES // _BR,),
        in_specs=[
            pl.BlockSpec((_BR, D), lambda i: (i, 0)),
            pl.BlockSpec((_BR, D), lambda i: (i, 0)),
            pl.BlockSpec((8, D, D), lambda i: (0, 0, 0)),
            pl.BlockSpec((8, D, D), lambda i: (0, 0, 0)),
            pl.BlockSpec((_BR, NC), lambda i: (i, 0)),
        ],
        out_specs=pl.BlockSpec((_BR, D), lambda i: (i, 0)),
        out_shape=jax.ShapeDtypeStruct((N_NODES, D), jnp.float32),
    )(h, x, Wh, Wx, degt)



def _final_body(acc_ref, scaled_ref, degt_ref, bh_ref, bx_ref, out_ref):
    acc = acc_ref[0] + acc_ref[1] + scaled_ref[...]
    deg = degt_ref[:, 0] + degt_ref[:, 1] + 1.0
    dinv = lax.rsqrt(deg)
    bias = jnp.mean(bh_ref[...] + bx_ref[...], axis=0)
    out_ref[...] = acc * dinv[:, None] + bias[None, :]


def _final(accp, scaled, degt, bh, bx):
    return pl.pallas_call(
        _final_body,
        grid=(N_NODES // _BR,),
        in_specs=[
            pl.BlockSpec((NC, _BR, D), lambda i: (0, i, 0)),
            pl.BlockSpec((_BR, D), lambda i: (i, 0)),
            pl.BlockSpec((_BR, NC), lambda i: (i, 0)),
            pl.BlockSpec((8, D), lambda i: (0, 0)),
            pl.BlockSpec((8, D), lambda i: (0, 0)),
        ],
        out_specs=pl.BlockSpec((_BR, D), lambda i: (i, 0)),
        out_shape=jax.ShapeDtypeStruct((N_NODES, D), jnp.float32),
    )(accp, scaled, degt, bh, bx)



def kernel(h, x, edge_index, Wh, bh, Wx, bx):
    ei = edge_index.astype(jnp.int32)
    src2 = ei[0].reshape(NW, EW)
    dst3p = ei[1].reshape(NW, ITP, KP)
    dst3d = ei[1].reshape(NW, ITD, KD)
    zrow = jnp.zeros((NPAD,), jnp.float32)
    zacc = jnp.zeros((NPAD, D), jnp.float32)

    degp = _deg_kernel(dst3d, zrow)
    degt = degp.reshape(NC, NPAD).T
    scaled = _prep(h, x, Wh, Wx, degt)
    accp = _prop_kernel(scaled, src2, dst3p, zacc)
    accp = accp.reshape(NC, NPAD, D)
    return _final(accp, scaled, degt, bh, bx)

# --- scband reference (transcript-rebuilt; emitter-appended) ---
"""Pipeline reference for scband-multi-head-module-68324339744903 (READ-ONLY COPY).

The authoritative reference and input builder live on the scoring server;
editing this copy changes nothing except your own understanding.
"""

import jax, jax.numpy as jnp
import numpy as np

N_NODES = 10000
N_EDGES = 320000
N_HEADS = 8
D_IN = 128
D_HID = 128
D_OUT = 128


def setup_inputs(seed: int = 0) -> dict:
    key = jax.random.key(seed)
    ks = jax.random.split(key, 8)
    h = jax.random.normal(ks[0], (N_NODES, D_HID), dtype=jnp.float32)
    x = jax.random.normal(ks[1], (N_NODES, D_IN), dtype=jnp.float32)
    edge_index = jax.random.randint(ks[2], (2, N_EDGES), 0, N_NODES, dtype=jnp.int64)
    # Learned parameters: per-head GCNConv weights for conv_h and conv_x
    Wh = jax.random.normal(ks[3], (N_HEADS, D_HID, D_OUT), dtype=jnp.float32) * 0.05
    bh = jnp.zeros((N_HEADS, D_OUT), dtype=jnp.float32)
    Wx = jax.random.normal(ks[4], (N_HEADS, D_IN, D_OUT), dtype=jnp.float32) * 0.05
    bx = jnp.zeros((N_HEADS, D_OUT), dtype=jnp.float32)
    return {"h": h, "x": x, "edge_index": edge_index, "Wh": Wh, "bh": bh, "Wx": Wx, "bx": bx}


def _gcn_conv(feat, W, b, src, dst, norm, n_nodes):
    # GCNConv: out = D^{-1/2} (A + I) D^{-1/2} (feat @ W) + b
    xw = feat @ W
    msg = norm[:, None] * xw[src]
    out = jnp.zeros((n_nodes, W.shape[1]), dtype=feat.dtype).at[dst].add(msg)
    return out + b


def reference(h, x, edge_index, Wh, bh, Wx, bx):
    n_nodes = h.shape[0]
    loop = jnp.arange(n_nodes, dtype=edge_index.dtype)
    src = jnp.concatenate([edge_index[0], loop])
    dst = jnp.concatenate([edge_index[1], loop])
    deg = jnp.zeros((n_nodes,), dtype=jnp.float32).at[dst].add(1.0)
    dinv = jax.lax.rsqrt(jnp.maximum(deg, 1.0))
    norm = dinv[src] * dinv[dst]
    h_out = []
    for i in range(Wh.shape[0]):
        hh = _gcn_conv(h, Wh[i], bh[i], src, dst, norm, n_nodes)
        xx = _gcn_conv(x, Wx[i], bx[i], src, dst, norm, n_nodes)
        # gate module: additive gate
        h_out.append(hh + xx)
    h_stacked = jnp.stack(h_out, axis=1)
    return jnp.mean(h_stacked, axis=1)

if __name__ == "__main__":
    import jax
    _d = setup_inputs()
    print(jax.jit(kernel)(*tuple(_d.values())))

</pallas_src>

<mosaic_0001>
#map = affine_map<(d0, d1) -> (0, 0, 0)>
#map1 = affine_map<(d0, d1) -> (0)>
module attributes {stable_mosaic.version = 14 : i64} {
  func.func @_deg_kernel(%arg0: i32, %arg1: i32, %arg2: memref<32x125x80xi32, #tpu.memory_space<hbm>>, %arg3: memref<10240xf32, #tpu.memory_space<hbm>>, %arg4: memref<20480xf32, #tpu.memory_space<hbm>>, %arg5: memref<125x80xi32, #tpu.memory_space<vmem>>, %arg6: memref<80xf32, #tpu.memory_space<vmem>>, %arg7: memref<!tpu.dma_semaphore, #tpu.memory_space<semaphore_mem>>, %arg8: memref<!tpu.dma_semaphore, #tpu.memory_space<semaphore_mem>>, %arg9: memref<10240xf32, #tpu.memory_space<vmem_shared>>) attributes {dimension_semantics = [#tpu.dimension_semantics<core_parallel>, #tpu.dimension_semantics<subcore_parallel>], iteration_bounds = array<i64: 2, 16>, scalar_prefetch = 0 : i64, scratch_operands = 5 : i64, tpu.core_type = #tpu.core_type<sc_vector_subcore>, window_params = [{transform_indices = #map}, {transform_indices = #map1}, {transform_indices = #map1}]} {
    %mul3A = arith.constant 2 : i32
    %mul3A_0 = arith.muli %arg1, %mul3A : i32
    %add3A = arith.addi %mul3A_0, %arg0 : i32
    %dma_start3A = arith.constant 0 : i32
    %dma_start3A_1 = arith.constant 0 : i32
    %dma_start3A_2 = tpu.memref_slice %arg2[%add3A, %dma_start3A, %dma_start3A_1] : memref<32x125x80xi32, #tpu.memory_space<hbm>> -> memref<1x125x80xi32, #tpu.memory_space<hbm>>
    %dma_start3A_3 = tpu.memref_squeeze %dma_start3A_2 : memref<1x125x80xi32, #tpu.memory_space<hbm>> -> memref<125x80xi32, #tpu.memory_space<hbm>>
    %dma_start3A_4 = arith.constant 0 : i32
    %dma_start3A_5 = arith.constant 0 : i32
    %dma_start3A_6 = tpu.memref_slice %arg2[%add3A, %dma_start3A_4, %dma_start3A_5] : memref<32x125x80xi32, #tpu.memory_space<hbm>> -> memref<1x125x80xi32, #tpu.memory_space<hbm>>
    %dma_start3A_7 = tpu.memref_squeeze %dma_start3A_6 : memref<1x125x80xi32, #tpu.memory_space<hbm>> -> memref<125x80xi32, #tpu.memory_space<hbm>>
    tpu.enqueue_dma source(%dma_start3A_7 : memref<125x80xi32, #tpu.memory_space<hbm>>) target(%arg5 : memref<125x80xi32, #tpu.memory_space<vmem>>) target_semaphore(%arg7 : memref<!tpu.dma_semaphore, #tpu.memory_space<semaphore_mem>>)
    %broadcast_in_dim3A = arith.constant 1.000000e+00 : f32
    %broadcast_in_dim3A_8 = vector.broadcast %broadcast_in_dim3A : f32 to vector<16xf32>
    %swap3A = arith.constant 0 : index
    %swap3A_9 = tpu.vector_load %arg6[%swap3A] {strides = array<i32>} : memref<80xf32, #tpu.memory_space<vmem>>, vector<16xf32>,
    %swap3A_10 = vector.shape_cast %swap3A_9 : vector<16xf32> to vector<16xf32>
    %swap3A_11 = vector.shape_cast %broadcast_in_dim3A_8 : vector<16xf32> to vector<16xf32>
    tpu.vector_store %arg6[%swap3A], %swap3A_11 {strides = array<i32>} : memref<80xf32, #tpu.memory_space<vmem>>, vector<16xf32>,
    %broadcast_in_dim3A_12 = arith.constant 1.000000e+00 : f32
    %broadcast_in_dim3A_13 = vector.broadcast %broadcast_in_dim3A_12 : f32 to vector<16xf32>
    %swap3A_14 = arith.constant 16 : index
    %swap3A_15 = tpu.vector_load %arg6[%swap3A_14] {strides = array<i32>} : memref<80xf32, #tpu.memory_space<vmem>>, vector<16xf32>,
    %swap3A_16 = vector.shape_cast %swap3A_15 : vector<16xf32> to vector<16xf32>
    %swap3A_17 = vector.shape_cast %broadcast_in_dim3A_13 : vector<16xf32> to vector<16xf32>
    tpu.vector_store %arg6[%swap3A_14], %swap3A_17 {strides = array<i32>} : memref<80xf32, #tpu.memory_space<vmem>>, vector<16xf32>,
    %broadcast_in_dim3A_18 = arith.constant 1.000000e+00 : f32
    %broadcast_in_dim3A_19 = vector.broadcast %broadcast_in_dim3A_18 : f32 to vector<16xf32>
    %swap3A_20 = arith.constant 32 : index
    %swap3A_21 = tpu.vector_load %arg6[%swap3A_20] {strides = array<i32>} : memref<80xf32, #tpu.memory_space<vmem>>, vector<16xf32>,
    %swap3A_22 = vector.shape_cast %swap3A_21 : vector<16xf32> to vector<16xf32>
    %swap3A_23 = vector.shape_cast %broadcast_in_dim3A_19 : vector<16xf32> to vector<16xf32>
    tpu.vector_store %arg6[%swap3A_20], %swap3A_23 {strides = array<i32>} : memref<80xf32, #tpu.memory_space<vmem>>, vector<16xf32>,
    %broadcast_in_dim3A_24 = arith.constant 1.000000e+00 : f32
    %broadcast_in_dim3A_25 = vector.broadcast %broadcast_in_dim3A_24 : f32 to vector<16xf32>
    %swap3A_26 = arith.constant 48 : index
    %swap3A_27 = tpu.vector_load %arg6[%swap3A_26] {strides = array<i32>} : memref<80xf32, #tpu.memory_space<vmem>>, vector<16xf32>,
    %swap3A_28 = vector.shape_cast %swap3A_27 : vector<16xf32> to vector<16xf32>
    %swap3A_29 = vector.shape_cast %broadcast_in_dim3A_25 : vector<16xf32> to vector<16xf32>
    tpu.vector_store %arg6[%swap3A_26], %swap3A_29 {strides = array<i32>} : memref<80xf32, #tpu.memory_space<vmem>>, vector<16xf32>,
    %broadcast_in_dim3A_30 = arith.constant 1.000000e+00 : f32
    %broadcast_in_dim3A_31 = vector.broadcast %broadcast_in_dim3A_30 : f32 to vector<16xf32>
    %swap3A_32 = arith.constant 64 : index
    %swap3A_33 = tpu.vector_load %arg6[%swap3A_32] {strides = array<i32>} : memref<80xf32, #tpu.memory_space<vmem>>, vector<16xf32>,
    %swap3A_34 = vector.shape_cast %swap3A_33 : vector<16xf32> to vector<16xf32>
    %swap3A_35 = vector.shape_cast %broadcast_in_dim3A_31 : vector<16xf32> to vector<16xf32>
    tpu.vector_store %arg6[%swap3A_32], %swap3A_35 {strides = array<i32>} : memref<80xf32, #tpu.memory_space<vmem>>, vector<16xf32>,
    %mul3A_36 = arith.constant 640 : i32
    %mul3A_37 = arith.muli %arg1, %mul3A_36 : i32
    %mul3A_38 = arith.constant 640 : i32
    %mul3A_39 = arith.muli %arg1, %mul3A_38 : i32
    "tpu.region"() ({
      %run_scoped3A = tpu.sem_alloc : memref<!tpu.dma_semaphore, #tpu.memory_space<semaphore_mem>>
      %dma_start3A_60 = tpu.memref_slice %arg9[%mul3A_39] : memref<10240xf32, #tpu.memory_space<vmem_shared>> -> memref<640xf32, #tpu.memory_space<vmem_shared>>
      %dma_start3A_61 = tpu.memref_slice %arg3[%mul3A_37] : memref<10240xf32, #tpu.memory_space<hbm>> -> memref<640xf32, #tpu.memory_space<hbm>>
      tpu.enqueue_dma source(%dma_start3A_61 : memref<640xf32, #tpu.memory_space<hbm>>) target(%dma_start3A_60 : memref<640xf32, #tpu.memory_space<vmem_shared>>) target_semaphore(%run_scoped3A : memref<!tpu.dma_semaphore, #tpu.memory_space<semaphore_mem>>)
      %dma_wait3A_62 = tpu.memref_slice %arg9[%mul3A_39] : memref<10240xf32, #tpu.memory_space<vmem_shared>> -> memref<640xf32, #tpu.memory_space<vmem_shared>>
      %dma_wait3A_63 = tpu.memref_slice %arg3[%mul3A_37] : memref<10240xf32, #tpu.memory_space<hbm>> -> memref<640xf32, #tpu.memory_space<hbm>>
      tpu.wait_dma2 semaphore(%run_scoped3A : memref<!tpu.dma_semaphore, #tpu.memory_space<semaphore_mem>>) src(%dma_wait3A_63 : memref<640xf32, #tpu.memory_space<hbm>>) dst(%dma_wait3A_62 : memref<640xf32, #tpu.memory_space<vmem_shared>>)
      tpu.yield
    }) : () -> ()
    %dma_wait3A = arith.constant 0 : i32
    %dma_wait3A_40 = arith.constant 0 : i32
    %dma_wait3A_41 = tpu.memref_slice %arg2[%add3A, %dma_wait3A, %dma_wait3A_40] : memref<32x125x80xi32, #tpu.memory_space<hbm>> -> memref<1x125x80xi32, #tpu.memory_space<hbm>>
    %dma_wait3A_42 = tpu.memref_squeeze %dma_wait3A_41 : memref<1x125x80xi32, #tpu.memory_space<hbm>> -> memref<125x80xi32, #tpu.memory_space<hbm>>
    %dma_wait3A_43 = arith.constant 0 : i32
    %dma_wait3A_44 = arith.constant 0 : i32
    %dma_wait3A_45 = tpu.memref_slice %arg2[%add3A, %dma_wait3A_43, %dma_wait3A_44] : memref<32x125x80xi32, #tpu.memory_space<hbm>> -> memref<1x125x80xi32, #tpu.memory_space<hbm>>
    %dma_wait3A_46 = tpu.memref_squeeze %dma_wait3A_45 : memref<1x125x80xi32, #tpu.memory_space<hbm>> -> memref<125x80xi32, #tpu.memory_space<hbm>>
    tpu.wait_dma2 semaphore(%arg7 : memref<!tpu.dma_semaphore, #tpu.memory_space<semaphore_mem>>) src(%dma_wait3A_46 : memref<125x80xi32, #tpu.memory_space<hbm>>) dst(%arg5 : memref<125x80xi32, #tpu.memory_space<vmem>>)
    %barrier3A = arith.constant 0 : index
    tpu.barrier barrier_id(%barrier3A)
    %scan3A = arith.constant 0 : i32
    %scan3A_47 = arith.constant 0 : i32
    %scan3A_48 = arith.constant 25 : i32
    %scan3A_49 = arith.addi %scan3A_47, %scan3A_48 : i32
    %scan3A_50 = arith.constant 1 : i32
    scf.for %scan3A_60 = %scan3A_47 to %scan3A_49 step %scan3A_50  : i32 {
      %mul3A_61 = arith.constant 5 : i32
      %mul3A_62 = arith.muli %scan3A_60, %mul3A_61 : i32
      %add3A_63 = arith.constant 0 : i32
      %add3A_64 = arith.addi %mul3A_62, %add3A_63 : i32
      %dma_start3A_65 = arith.constant 0 : i32
      %dma_start3A_66 = tpu.memref_slice %arg5[%add3A_64, %dma_start3A_65] : memref<125x80xi32, #tpu.memory_space<vmem>> -> memref<1x80xi32, #tpu.memory_space<vmem>>
      %dma_start3A_67 = tpu.memref_squeeze %dma_start3A_66 : memref<1x80xi32, #tpu.memory_space<vmem>> -> memref<80xi32, #tpu.memory_space<vmem>>
      %dma_start3A_68 = arith.constant 0 : i32
      %dma_start3A_69 = tpu.memref_slice %arg9[%dma_start3A_68] : memref<10240xf32, #tpu.memory_space<vmem_shared>> -> memref<10240xf32, #tpu.memory_space<vmem_shared>>
      tpu.enqueue_indirect_dma source(%arg6 : memref<80xf32, #tpu.memory_space<vmem>>) target(%dma_start3A_69 : memref<10240xf32, #tpu.memory_space<vmem_shared>>) offsets(%dma_start3A_67 : memref<80xi32, #tpu.memory_space<vmem>>) semaphore(%arg8 : memref<!tpu.dma_semaphore, #tpu.memory_space<semaphore_mem>>) {add = true}
      %mul3A_70 = arith.constant 5 : i32
      %mul3A_71 = arith.muli %scan3A_60, %mul3A_70 : i32
      %add3A_72 = arith.constant 1 : i32
      %add3A_73 = arith.addi %mul3A_71, %add3A_72 : i32
      %dma_start3A_74 = arith.constant 0 : i32
      %dma_start3A_75 = tpu.memref_slice %arg5[%add3A_73, %dma_start3A_74] : memref<125x80xi32, #tpu.memory_space<vmem>> -> memref<1x80xi32, #tpu.memory_space<vmem>>
      %dma_start3A_76 = tpu.memref_squeeze %dma_start3A_75 : memref<1x80xi32, #tpu.memory_space<vmem>> -> memref<80xi32, #tpu.memory_space<vmem>>
      %dma_start3A_77 = arith.constant 0 : i32
      %dma_start3A_78 = tpu.memref_slice %arg9[%dma_start3A_77] : memref<10240xf32, #tpu.memory_space<vmem_shared>> -> memref<10240xf32, #tpu.memory_space<vmem_shared>>
      tpu.enqueue_indirect_dma source(%arg6 : memref<80xf32, #tpu.memory_space<vmem>>) target(%dma_start3A_78 : memref<10240xf32, #tpu.memory_space<vmem_shared>>) offsets(%dma_start3A_76 : memref<80xi32, #tpu.memory_space<vmem>>) semaphore(%arg8 : memref<!tpu.dma_semaphore, #tpu.memory_space<semaphore_mem>>) {add = true}
      %mul3A_79 = arith.constant 5 : i32
      %mul3A_80 = arith.muli %scan3A_60, %mul3A_79 : i32
      %add3A_81 = arith.constant 2 : i32
      %add3A_82 = arith.addi %mul3A_80, %add3A_81 : i32
      %dma_start3A_83 = arith.constant 0 : i32
      %dma_start3A_84 = tpu.memref_slice %arg5[%add3A_82, %dma_start3A_83] : memref<125x80xi32, #tpu.memory_space<vmem>> -> memref<1x80xi32, #tpu.memory_space<vmem>>
      %dma_start3A_85 = tpu.memref_squeeze %dma_start3A_84 : memref<1x80xi32, #tpu.memory_space<vmem>> -> memref<80xi32, #tpu.memory_space<vmem>>
      %dma_start3A_86 = arith.constant 0 : i32
      %dma_start3A_87 = tpu.memref_slice %arg9[%dma_start3A_86] : memref<10240xf32, #tpu.memory_space<vmem_shared>> -> memref<10240xf32, #tpu.memory_space<vmem_shared>>
      tpu.enqueue_indirect_dma source(%arg6 : memref<80xf32, #tpu.memory_space<vmem>>) target(%dma_start3A_87 : memref<10240xf32, #tpu.memory_space<vmem_shared>>) offsets(%dma_start3A_85 : memref<80xi32, #tpu.memory_space<vmem>>) semaphore(%arg8 : memref<!tpu.dma_semaphore, #tpu.memory_space<semaphore_mem>>) {add = true}
      %mul3A_88 = arith.constant 5 : i32
      %mul3A_89 = arith.muli %scan3A_60, %mul3A_88 : i32
      %add3A_90 = arith.constant 3 : i32
      %add3A_91 = arith.addi %mul3A_89, %add3A_90 : i32
      %dma_start3A_92 = arith.constant 0 : i32
      %dma_start3A_93 = tpu.memref_slice %arg5[%add3A_91, %dma_start3A_92] : memref<125x80xi32, #tpu.memory_space<vmem>> -> memref<1x80xi32, #tpu.memory_space<vmem>>
      %dma_start3A_94 = tpu.memref_squeeze %dma_start3A_93 : memref<1x80xi32, #tpu.memory_space<vmem>> -> memref<80xi32, #tpu.memory_space<vmem>>
      %dma_start3A_95 = arith.constant 0 : i32
      %dma_start3A_96 = tpu.memref_slice %arg9[%dma_start3A_95] : memref<10240xf32, #tpu.memory_space<vmem_shared>> -> memref<10240xf32, #tpu.memory_space<vmem_shared>>
      tpu.enqueue_indirect_dma source(%arg6 : memref<80xf32, #tpu.memory_space<vmem>>) target(%dma_start3A_96 : memref<10240xf32, #tpu.memory_space<vmem_shared>>) offsets(%dma_start3A_94 : memref<80xi32, #tpu.memory_space<vmem>>) semaphore(%arg8 : memref<!tpu.dma_semaphore, #tpu.memory_space<semaphore_mem>>) {add = true}
      %mul3A_97 = arith.constant 5 : i32
      %mul3A_98 = arith.muli %scan3A_60, %mul3A_97 : i32
      %add3A_99 = arith.constant 4 : i32
      %add3A_100 = arith.addi %mul3A_98, %add3A_99 : i32
      %dma_start3A_101 = arith.constant 0 : i32
      %dma_start3A_102 = tpu.memref_slice %arg5[%add3A_100, %dma_start3A_101] : memref<125x80xi32, #tpu.memory_space<vmem>> -> memref<1x80xi32, #tpu.memory_space<vmem>>
      %dma_start3A_103 = tpu.memref_squeeze %dma_start3A_102 : memref<1x80xi32, #tpu.memory_space<vmem>> -> memref<80xi32, #tpu.memory_space<vmem>>
      %dma_start3A_104 = arith.constant 0 : i32
      %dma_start3A_105 = tpu.memref_slice %arg9[%dma_start3A_104] : memref<10240xf32, #tpu.memory_space<vmem_shared>> -> memref<10240xf32, #tpu.memory_space<vmem_shared>>
      tpu.enqueue_indirect_dma source(%arg6 : memref<80xf32, #tpu.memory_space<vmem>>) target(%dma_start3A_105 : memref<10240xf32, #tpu.memory_space<vmem_shared>>) offsets(%dma_start3A_103 : memref<80xi32, #tpu.memory_space<vmem>>) semaphore(%arg8 : memref<!tpu.dma_semaphore, #tpu.memory_space<semaphore_mem>>) {add = true}
      %dma_wait3A_106 = arith.constant 0 : i32
      %dma_wait3A_107 = tpu.memref_slice %arg5[%add3A_64, %dma_wait3A_106] : memref<125x80xi32, #tpu.memory_space<vmem>> -> memref<1x80xi32, #tpu.memory_space<vmem>>
      %dma_wait3A_108 = tpu.memref_squeeze %dma_wait3A_107 : memref<1x80xi32, #tpu.memory_space<vmem>> -> memref<80xi32, #tpu.memory_space<vmem>>
      %dma_wait3A_109 = arith.constant 0 : i32
      %dma_wait3A_110 = tpu.memref_slice %arg9[%dma_wait3A_109] : memref<10240xf32, #tpu.memory_space<vmem_shared>> -> memref<10240xf32, #tpu.memory_space<vmem_shared>>
      tpu.wait_indirect_dma semaphore(%arg8 : memref<!tpu.dma_semaphore, #tpu.memory_space<semaphore_mem>>) src(%arg6 : memref<80xf32, #tpu.memory_space<vmem>>) dst(%dma_wait3A_110 : memref<10240xf32, #tpu.memory_space<vmem_shared>>)
      %dma_wait3A_111 = arith.constant 0 : i32
      %dma_wait3A_112 = tpu.memref_slice %arg5[%add3A_73, %dma_wait3A_111] : memref<125x80xi32, #tpu.memory_space<vmem>> -> memref<1x80xi32, #tpu.memory_space<vmem>>
      %dma_wait3A_113 = tpu.memref_squeeze %dma_wait3A_112 : memref<1x80xi32, #tpu.memory_space<vmem>> -> memref<80xi32, #tpu.memory_space<vmem>>
      %dma_wait3A_114 = arith.constant 0 : i32
      %dma_wait3A_115 = tpu.memref_slice %arg9[%dma_wait3A_114] : memref<10240xf32, #tpu.memory_space<vmem_shared>> -> memref<10240xf32, #tpu.memory_space<vmem_shared>>
      tpu.wait_indirect_dma semaphore(%arg8 : memref<!tpu.dma_semaphore, #tpu.memory_space<semaphore_mem>>) src(%arg6 : memref<80xf32, #tpu.memory_space<vmem>>) dst(%dma_wait3A_115 : memref<10240xf32, #tpu.memory_space<vmem_shared>>)
      %dma_wait3A_116 = arith.constant 0 : i32
      %dma_wait3A_117 = tpu.memref_slice %arg5[%add3A_82, %dma_wait3A_116] : memref<125x80xi32, #tpu.memory_space<vmem>> -> memref<1x80xi32, #tpu.memory_space<vmem>>
      %dma_wait3A_118 = tpu.memref_squeeze %dma_wait3A_117 : memref<1x80xi32, #tpu.memory_space<vmem>> -> memref<80xi32, #tpu.memory_space<vmem>>
      %dma_wait3A_119 = arith.constant 0 : i32
      %dma_wait3A_120 = tpu.memref_slice %arg9[%dma_wait3A_119] : memref<10240xf32, #tpu.memory_space<vmem_shared>> -> memref<10240xf32, #tpu.memory_space<vmem_shared>>
      tpu.wait_indirect_dma semaphore(%arg8 : memref<!tpu.dma_semaphore, #tpu.memory_space<semaphore_mem>>) src(%arg6 : memref<80xf32, #tpu.memory_space<vmem>>) dst(%dma_wait3A_120 : memref<10240xf32, #tpu.memory_space<vmem_shared>>)
      %dma_wait3A_121 = arith.constant 0 : i32
      %dma_wait3A_122 = tpu.memref_slice %arg5[%add3A_91, %dma_wait3A_121] : memref<125x80xi32, #tpu.memory_space<vmem>> -> memref<1x80xi32, #tpu.memory_space<vmem>>
      %dma_wait3A_123 = tpu.memref_squeeze %dma_wait3A_122 : memref<1x80xi32, #tpu.memory_space<vmem>> -> memref<80xi32, #tpu.memory_space<vmem>>
      %dma_wait3A_124 = arith.constant 0 : i32
      %dma_wait3A_125 = tpu.memref_slice %arg9[%dma_wait3A_124] : memref<10240xf32, #tpu.memory_space<vmem_shared>> -> memref<10240xf32, #tpu.memory_space<vmem_shared>>
      tpu.wait_indirect_dma semaphore(%arg8 : memref<!tpu.dma_semaphore, #tpu.memory_space<semaphore_mem>>) src(%arg6 : memref<80xf32, #tpu.memory_space<vmem>>) dst(%dma_wait3A_125 : memref<10240xf32, #tpu.memory_space<vmem_shared>>)
      %dma_wait3A_126 = arith.constant 0 : i32
      %dma_wait3A_127 = tpu.memref_slice %arg5[%add3A_100, %dma_wait3A_126] : memref<125x80xi32, #tpu.memory_space<vmem>> -> memref<1x80xi32, #tpu.memory_space<vmem>>
      %dma_wait3A_128 = tpu.memref_squeeze %dma_wait3A_127 : memref<1x80xi32, #tpu.memory_space<vmem>> -> memref<80xi32, #tpu.memory_space<vmem>>
      %dma_wait3A_129 = arith.constant 0 : i32
      %dma_wait3A_130 = tpu.memref_slice %arg9[%dma_wait3A_129] : memref<10240xf32, #tpu.memory_space<vmem_shared>> -> memref<10240xf32, #tpu.memory_space<vmem_shared>>
      tpu.wait_indirect_dma semaphore(%arg8 : memref<!tpu.dma_semaphore, #tpu.memory_space<semaphore_mem>>) src(%arg6 : memref<80xf32, #tpu.memory_space<vmem>>) dst(%dma_wait3A_130 : memref<10240xf32, #tpu.memory_space<vmem_shared>>)
    }
    %scan3A_51 = arith.constant 25 : i32
    %barrier3A_52 = arith.constant 0 : index
    tpu.barrier barrier_id(%barrier3A_52)
    %mul3A_53 = arith.constant 640 : i32
    %mul3A_54 = arith.muli %arg1, %mul3A_53 : i32
    %mul3A_55 = arith.constant 10240 : i32
    %mul3A_56 = arith.muli %arg0, %mul3A_55 : i32
    %mul3A_57 = arith.constant 640 : i32
    %mul3A_58 = arith.muli %arg1, %mul3A_57 : i32
    %add3A_59 = arith.addi %mul3A_56, %mul3A_58 : i32
    "tpu.region"() ({
      %run_scoped3A = tpu.sem_alloc : memref<!tpu.dma_semaphore, #tpu.memory_space<semaphore_mem>>
      %dma_start3A_60 = tpu.memref_slice %arg4[%add3A_59] : memref<20480xf32, #tpu.memory_space<hbm>> -> memref<640xf32, #tpu.memory_space<hbm>>
      %dma_start3A_61 = tpu.memref_slice %arg9[%mul3A_54] : memref<10240xf32, #tpu.memory_space<vmem_shared>> -> memref<640xf32, #tpu.memory_space<vmem_shared>>
      tpu.enqueue_dma source(%dma_start3A_61 : memref<640xf32, #tpu.memory_space<vmem_shared>>) target(%dma_start3A_60 : memref<640xf32, #tpu.memory_space<hbm>>) target_semaphore(%run_scoped3A : memref<!tpu.dma_semaphore, #tpu.memory_space<semaphore_mem>>)
      %dma_wait3A_62 = tpu.memref_slice %arg4[%add3A_59] : memref<20480xf32, #tpu.memory_space<hbm>> -> memref<640xf32, #tpu.memory_space<hbm>>
      %dma_wait3A_63 = tpu.memref_slice %arg9[%mul3A_54] : memref<10240xf32, #tpu.memory_space<vmem_shared>> -> memref<640xf32, #tpu.memory_space<vmem_shared>>
      tpu.wait_dma2 semaphore(%run_scoped3A : memref<!tpu.dma_semaphore, #tpu.memory_space<semaphore_mem>>) src(%dma_wait3A_63 : memref<640xf32, #tpu.memory_space<vmem_shared>>) dst(%dma_wait3A_62 : memref<640xf32, #tpu.memory_space<hbm>>)
      tpu.yield
    }) : () -> ()
    return
  }
}

#map = affine_map<(d0, d1) -> (0, 0)>
#map1 = affine_map<(d0, d1) -> (0, 0, 0)>
module attributes {stable_mosaic.version = 14 : i64} {
  func.func @_prop_kernel(%arg0: i32, %arg1: i32, %arg2: memref<10000x128xf32, #tpu.memory_space<hbm>>, %arg3: memref<32x10000xi32, #tpu.memory_space<hbm>>, %arg4: memref<32x125x80xi32, #tpu.memory_space<hbm>>, %arg5: memref<10240x128xf32, #tpu.memory_space<hbm>>, %arg6: memref<20480x128xf32, #tpu.memory_space<hbm>>, %arg7: memref<10000xi32, #tpu.memory_space<vmem>>, %arg8: memref<125x80xi32, #tpu.memory_space<vmem>>, %arg9: memref<2x80x128xf32, #tpu.memory_space<vmem>>, %arg10: memref<!tpu.dma_semaphore, #tpu.memory_space<semaphore_mem>>, %arg11: memref<!tpu.dma_semaphore, #tpu.memory_space<semaphore_mem>>, %arg12: memref<!tpu.dma_semaphore, #tpu.memory_space<semaphore_mem>>, %arg13: memref<10240x128xf32, #tpu.memory_space<vmem_shared>>) attributes {dimension_semantics = [#tpu.dimension_semantics<core_parallel>, #tpu.dimension_semantics<subcore_parallel>], iteration_bounds = array<i64: 2, 16>, scalar_prefetch = 0 : i64, scratch_operands = 7 : i64, tpu.core_type = #tpu.core_type<sc_vector_subcore>, window_params = [{transform_indices = #map}, {transform_indices = #map}, {transform_indices = #map1}, {transform_indices = #map}, {transform_indices = #map}]} {
    %mul3A = arith.constant 2 : i32
    %mul3A_0 = arith.muli %arg1, %mul3A : i32
    %add3A = arith.addi %mul3A_0, %arg0 : i32
    %dma_start3A = arith.constant 0 : i32
    %dma_start3A_1 = tpu.memref_slice %arg3[%add3A, %dma_start3A] : memref<32x10000xi32, #tpu.memory_space<hbm>> -> memref<1x10000xi32, #tpu.memory_space<hbm>>
    %dma_start3A_2 = tpu.memref_squeeze %dma_start3A_1 : memref<1x10000xi32, #tpu.memory_space<hbm>> -> memref<10000xi32, #tpu.memory_space<hbm>>
    %dma_start3A_3 = arith.constant 0 : i32
    %dma_start3A_4 = tpu.memref_slice %arg3[%add3A, %dma_start3A_3] : memref<32x10000xi32, #tpu.memory_space<hbm>> -> memref<1x10000xi32, #tpu.memory_space<hbm>>
    %dma_start3A_5 = tpu.memref_squeeze %dma_start3A_4 : memref<1x10000xi32, #tpu.memory_space<hbm>> -> memref<10000xi32, #tpu.memory_space<hbm>>
    tpu.enqueue_dma source(%dma_start3A_5 : memref<10000xi32, #tpu.memory_space<hbm>>) target(%arg7 : memref<10000xi32, #tpu.memory_space<vmem>>) target_semaphore(%arg12 : memref<!tpu.dma_semaphore, #tpu.memory_space<semaphore_mem>>)
    %dma_start3A_6 = arith.constant 0 : i32
    %dma_start3A_7 = arith.constant 0 : i32
    %dma_start3A_8 = tpu.memref_slice %arg4[%add3A, %dma_start3A_6, %dma_start3A_7] : memref<32x125x80xi32, #tpu.memory_space<hbm>> -> memref<1x125x80xi32, #tpu.memory_space<hbm>>
    %dma_start3A_9 = tpu.memref_squeeze %dma_start3A_8 : memref<1x125x80xi32, #tpu.memory_space<hbm>> -> memref<125x80xi32, #tpu.memory_space<hbm>>
    %dma_start3A_10 = arith.constant 0 : i32
    %dma_start3A_11 = arith.constant 0 : i32
    %dma_start3A_12 = tpu.memref_slice %arg4[%add3A, %dma_start3A_10, %dma_start3A_11] : memref<32x125x80xi32, #tpu.memory_space<hbm>> -> memref<1x125x80xi32, #tpu.memory_space<hbm>>
    %dma_start3A_13 = tpu.memref_squeeze %dma_start3A_12 : memref<1x125x80xi32, #tpu.memory_space<hbm>> -> memref<125x80xi32, #tpu.memory_space<hbm>>
    tpu.enqueue_dma source(%dma_start3A_13 : memref<125x80xi32, #tpu.memory_space<hbm>>) target(%arg8 : memref<125x80xi32, #tpu.memory_space<vmem>>) target_semaphore(%arg12 : memref<!tpu.dma_semaphore, #tpu.memory_space<semaphore_mem>>)
    %mul3A_14 = arith.constant 640 : i32
    %mul3A_15 = arith.muli %arg1, %mul3A_14 : i32
    %mul3A_16 = arith.constant 640 : i32
    %mul3A_17 = arith.muli %arg1, %mul3A_16 : i32
    "tpu.region"() ({
      %run_scoped3A_65 = tpu.sem_alloc : memref<!tpu.dma_semaphore, #tpu.memory_space<semaphore_mem>>
      %dma_start3A_66 = arith.constant 0 : i32
      %dma_start3A_67 = tpu.memref_slice %arg13[%mul3A_17, %dma_start3A_66] : memref<10240x128xf32, #tpu.memory_space<vmem_shared>> -> memref<640x128xf32, #tpu.memory_space<vmem_shared>>
      %dma_start3A_68 = arith.constant 0 : i32
      %dma_start3A_69 = tpu.memref_slice %arg5[%mul3A_15, %dma_start3A_68] : memref<10240x128xf32, #tpu.memory_space<hbm>> -> memref<640x128xf32, #tpu.memory_space<hbm>>
      tpu.enqueue_dma source(%dma_start3A_69 : memref<640x128xf32, #tpu.memory_space<hbm>>) target(%dma_start3A_67 : memref<640x128xf32, #tpu.memory_space<vmem_shared>>) target_semaphore(%run_scoped3A_65 : memref<!tpu.dma_semaphore, #tpu.memory_space<semaphore_mem>>)
      %dma_wait3A_70 = arith.constant 0 : i32
      %dma_wait3A_71 = tpu.memref_slice %arg13[%mul3A_17, %dma_wait3A_70] : memref<10240x128xf32, #tpu.memory_space<vmem_shared>> -> memref<640x128xf32, #tpu.memory_space<vmem_shared>>
      %dma_wait3A_72 = arith.constant 0 : i32
      %dma_wait3A_73 = tpu.memref_slice %arg5[%mul3A_15, %dma_wait3A_72] : memref<10240x128xf32, #tpu.memory_space<hbm>> -> memref<640x128xf32, #tpu.memory_space<hbm>>
      tpu.wait_dma2 semaphore(%run_scoped3A_65 : memref<!tpu.dma_semaphore, #tpu.memory_space<semaphore_mem>>) src(%dma_wait3A_73 : memref<640x128xf32, #tpu.memory_space<hbm>>) dst(%dma_wait3A_71 : memref<640x128xf32, #tpu.memory_space<vmem_shared>>)
      tpu.yield
    }) : () -> ()
    %dma_wait3A = arith.constant 0 : i32
    %dma_wait3A_18 = tpu.memref_slice %arg3[%add3A, %dma_wait3A] : memref<32x10000xi32, #tpu.memory_space<hbm>> -> memref<1x10000xi32, #tpu.memory_space<hbm>>
    %dma_wait3A_19 = tpu.memref_squeeze %dma_wait3A_18 : memref<1x10000xi32, #tpu.memory_space<hbm>> -> memref<10000xi32, #tpu.memory_space<hbm>>
    %dma_wait3A_20 = arith.constant 0 : i32
    %dma_wait3A_21 = tpu.memref_slice %arg3[%add3A, %dma_wait3A_20] : memref<32x10000xi32, #tpu.memory_space<hbm>> -> memref<1x10000xi32, #tpu.memory_space<hbm>>
    %dma_wait3A_22 = tpu.memref_squeeze %dma_wait3A_21 : memref<1x10000xi32, #tpu.memory_space<hbm>> -> memref<10000xi32, #tpu.memory_space<hbm>>
    tpu.wait_dma2 semaphore(%arg12 : memref<!tpu.dma_semaphore, #tpu.memory_space<semaphore_mem>>) src(%dma_wait3A_22 : memref<10000xi32, #tpu.memory_space<hbm>>) dst(%arg7 : memref<10000xi32, #tpu.memory_space<vmem>>)
    %dma_wait3A_23 = arith.constant 0 : i32
    %dma_wait3A_24 = arith.constant 0 : i32
    %dma_wait3A_25 = tpu.memref_slice %arg4[%add3A, %dma_wait3A_23, %dma_wait3A_24] : memref<32x125x80xi32, #tpu.memory_space<hbm>> -> memref<1x125x80xi32, #tpu.memory_space<hbm>>
    %dma_wait3A_26 = tpu.memref_squeeze %dma_wait3A_25 : memref<1x125x80xi32, #tpu.memory_space<hbm>> -> memref<125x80xi32, #tpu.memory_space<hbm>>
    %dma_wait3A_27 = arith.constant 0 : i32
    %dma_wait3A_28 = arith.constant 0 : i32
    %dma_wait3A_29 = tpu.memref_slice %arg4[%add3A, %dma_wait3A_27, %dma_wait3A_28] : memref<32x125x80xi32, #tpu.memory_space<hbm>> -> memref<1x125x80xi32, #tpu.memory_space<hbm>>
    %dma_wait3A_30 = tpu.memref_squeeze %dma_wait3A_29 : memref<1x125x80xi32, #tpu.memory_space<hbm>> -> memref<125x80xi32, #tpu.memory_space<hbm>>
    tpu.wait_dma2 semaphore(%arg12 : memref<!tpu.dma_semaphore, #tpu.memory_space<semaphore_mem>>) src(%dma_wait3A_30 : memref<125x80xi32, #tpu.memory_space<hbm>>) dst(%arg8 : memref<125x80xi32, #tpu.memory_space<vmem>>)
    %barrier3A = arith.constant 0 : index
    tpu.barrier barrier_id(%barrier3A)
    %scan3A = arith.constant 0 : i32
    %scan3A_31 = arith.constant 0 : i32
    %scan3A_32 = arith.constant 62 : i32
    %scan3A_33 = arith.addi %scan3A_31, %scan3A_32 : i32
    %scan3A_34 = arith.constant 1 : i32
    scf.for %scan3A_65 = %scan3A_31 to %scan3A_33 step %scan3A_34  : i32 {
      %mul3A_66 = arith.constant 2 : i32
      %mul3A_67 = arith.muli %mul3A_66, %scan3A_65 : i32
      %mul3A_68 = arith.constant 80 : i32
      %mul3A_69 = arith.muli %mul3A_67, %mul3A_68 : i32
      %dma_start3A_70 = arith.constant 0 : i32
      %dma_start3A_71 = arith.constant 0 : i32
      %dma_start3A_72 = arith.constant 0 : i32
      %dma_start3A_73 = tpu.memref_slice %arg9[%dma_start3A_70, %dma_start3A_71, %dma_start3A_72] : memref<2x80x128xf32, #tpu.memory_space<vmem>> -> memref<1x80x128xf32, #tpu.memory_space<vmem>>
      %dma_start3A_74 = tpu.memref_squeeze %dma_start3A_73 : memref<1x80x128xf32, #tpu.memory_space<vmem>> -> memref<80x128xf32, #tpu.memory_space<vmem>>
      %dma_start3A_75 = tpu.memref_slice %arg7[%mul3A_69] : memref<10000xi32, #tpu.memory_space<vmem>> -> memref<80xi32, #tpu.memory_space<vmem>>
      %dma_start3A_76 = arith.constant 0 : i32
      %dma_start3A_77 = arith.constant 0 : i32
      %dma_start3A_78 = tpu.memref_slice %arg2[%dma_start3A_76, %dma_start3A_77] : memref<10000x128xf32, #tpu.memory_space<hbm>> -> memref<10000x128xf32, #tpu.memory_space<hbm>>
      tpu.enqueue_indirect_dma source(%dma_start3A_78 : memref<10000x128xf32, #tpu.memory_space<hbm>>) target(%dma_start3A_74 : memref<80x128xf32, #tpu.memory_space<vmem>>) offsets(%dma_start3A_75 : memref<80xi32, #tpu.memory_space<vmem>>) semaphore(%arg10 : memref<!tpu.dma_semaphore, #tpu.memory_space<semaphore_mem>>)
      %mul3A_79 = arith.constant 2 : i32
      %mul3A_80 = arith.muli %mul3A_79, %scan3A_65 : i32
      %add3A_81 = arith.constant 1 : i32
      %add3A_82 = arith.addi %mul3A_80, %add3A_81 : i32
      %mul3A_83 = arith.constant 80 : i32
      %mul3A_84 = arith.muli %add3A_82, %mul3A_83 : i32
      %dma_start3A_85 = arith.constant 1 : i32
      %dma_start3A_86 = arith.constant 0 : i32
      %dma_start3A_87 = arith.constant 0 : i32
      %dma_start3A_88 = tpu.memref_slice %arg9[%dma_start3A_85, %dma_start3A_86, %dma_start3A_87] : memref<2x80x128xf32, #tpu.memory_space<vmem>> -> memref<1x80x128xf32, #tpu.memory_space<vmem>>
      %dma_start3A_89 = tpu.memref_squeeze %dma_start3A_88 : memref<1x80x128xf32, #tpu.memory_space<vmem>> -> memref<80x128xf32, #tpu.memory_space<vmem>>
      %dma_start3A_90 = tpu.memref_slice %arg7[%mul3A_84] : memref<10000xi32, #tpu.memory_space<vmem>> -> memref<80xi32, #tpu.memory_space<vmem>>
      %dma_start3A_91 = arith.constant 0 : i32
      %dma_start3A_92 = arith.constant 0 : i32
      %dma_start3A_93 = tpu.memref_slice %arg2[%dma_start3A_91, %dma_start3A_92] : memref<10000x128xf32, #tpu.memory_space<hbm>> -> memref<10000x128xf32, #tpu.memory_space<hbm>>
      tpu.enqueue_indirect_dma source(%dma_start3A_93 : memref<10000x128xf32, #tpu.memory_space<hbm>>) target(%dma_start3A_89 : memref<80x128xf32, #tpu.memory_space<vmem>>) offsets(%dma_start3A_90 : memref<80xi32, #tpu.memory_space<vmem>>) semaphore(%arg10 : memref<!tpu.dma_semaphore, #tpu.memory_space<semaphore_mem>>)
      %dma_wait3A_94 = arith.constant 0 : i32
      %dma_wait3A_95 = arith.constant 0 : i32
      %dma_wait3A_96 = arith.constant 0 : i32
      %dma_wait3A_97 = tpu.memref_slice %arg9[%dma_wait3A_94, %dma_wait3A_95, %dma_wait3A_96] : memref<2x80x128xf32, #tpu.memory_space<vmem>> -> memref<1x80x128xf32, #tpu.memory_space<vmem>>
      %dma_wait3A_98 = tpu.memref_squeeze %dma_wait3A_97 : memref<1x80x128xf32, #tpu.memory_space<vmem>> -> memref<80x128xf32, #tpu.memory_space<vmem>>
      %dma_wait3A_99 = tpu.memref_slice %arg7[%mul3A_69] : memref<10000xi32, #tpu.memory_space<vmem>> -> memref<80xi32, #tpu.memory_space<vmem>>
      %dma_wait3A_100 = arith.constant 0 : i32
      %dma_wait3A_101 = arith.constant 0 : i32
      %dma_wait3A_102 = tpu.memref_slice %arg2[%dma_wait3A_100, %dma_wait3A_101] : memref<10000x128xf32, #tpu.memory_space<hbm>> -> memref<10000x128xf32, #tpu.memory_space<hbm>>
      tpu.wait_indirect_dma semaphore(%arg10 : memref<!tpu.dma_semaphore, #tpu.memory_space<semaphore_mem>>) src(%dma_wait3A_102 : memref<10000x128xf32, #tpu.memory_space<hbm>>) dst(%dma_wait3A_98 : memref<80x128xf32, #tpu.memory_space<vmem>>)
      %mul3A_103 = arith.constant 2 : i32
      %mul3A_104 = arith.muli %mul3A_103, %scan3A_65 : i32
      %dma_start3A_105 = arith.constant 0 : i32
      %dma_start3A_106 = arith.constant 0 : i32
      %dma_start3A_107 = arith.constant 0 : i32
      %dma_start3A_108 = tpu.memref_slice %arg9[%dma_start3A_105, %dma_start3A_106, %dma_start3A_107] : memref<2x80x128xf32, #tpu.memory_space<vmem>> -> memref<1x80x128xf32, #tpu.memory_space<vmem>>
      %dma_start3A_109 = tpu.memref_squeeze %dma_start3A_108 : memref<1x80x128xf32, #tpu.memory_space<vmem>> -> memref<80x128xf32, #tpu.memory_space<vmem>>
      %dma_start3A_110 = arith.constant 0 : i32
      %dma_start3A_111 = tpu.memref_slice %arg8[%mul3A_104, %dma_start3A_110] : memref<125x80xi32, #tpu.memory_space<vmem>> -> memref<1x80xi32, #tpu.memory_space<vmem>>
      %dma_start3A_112 = tpu.memref_squeeze %dma_start3A_111 : memref<1x80xi32, #tpu.memory_space<vmem>> -> memref<80xi32, #tpu.memory_space<vmem>>
      %dma_start3A_113 = arith.constant 0 : i32
      %dma_start3A_114 = arith.constant 0 : i32
      %dma_start3A_115 = tpu.memref_slice %arg13[%dma_start3A_113, %dma_start3A_114] : memref<10240x128xf32, #tpu.memory_space<vmem_shared>> -> memref<10240x128xf32, #tpu.memory_space<vmem_shared>>
      tpu.enqueue_indirect_dma source(%dma_start3A_109 : memref<80x128xf32, #tpu.memory_space<vmem>>) target(%dma_start3A_115 : memref<10240x128xf32, #tpu.memory_space<vmem_shared>>) offsets(%dma_start3A_112 : memref<80xi32, #tpu.memory_space<vmem>>) semaphore(%arg11 : memref<!tpu.dma_semaphore, #tpu.memory_space<semaphore_mem>>) {add = true}
      %dma_wait3A_116 = arith.constant 1 : i32
      %dma_wait3A_117 = arith.constant 0 : i32
      %dma_wait3A_118 = arith.constant 0 : i32
      %dma_wait3A_119 = tpu.memref_slice %arg9[%dma_wait3A_116, %dma_wait3A_117, %dma_wait3A_118] : memref<2x80x128xf32, #tpu.memory_space<vmem>> -> memref<1x80x128xf32, #tpu.memory_space<vmem>>
      %dma_wait3A_120 = tpu.memref_squeeze %dma_wait3A_119 : memref<1x80x128xf32, #tpu.memory_space<vmem>> -> memref<80x128xf32, #tpu.memory_space<vmem>>
      %dma_wait3A_121 = tpu.memref_slice %arg7[%mul3A_84] : memref<10000xi32, #tpu.memory_space<vmem>> -> memref<80xi32, #tpu.memory_space<vmem>>
      %dma_wait3A_122 = arith.constant 0 : i32
      %dma_wait3A_123 = arith.constant 0 : i32
      %dma_wait3A_124 = tpu.memref_slice %arg2[%dma_wait3A_122, %dma_wait3A_123] : memref<10000x128xf32, #tpu.memory_space<hbm>> -> memref<10000x128xf32, #tpu.memory_space<hbm>>
      tpu.wait_indirect_dma semaphore(%arg10 : memref<!tpu.dma_semaphore, #tpu.memory_space<semaphore_mem>>) src(%dma_wait3A_124 : memref<10000x128xf32, #tpu.memory_space<hbm>>) dst(%dma_wait3A_120 : memref<80x128xf32, #tpu.memory_space<vmem>>)
      %mul3A_125 = arith.constant 2 : i32
      %mul3A_126 = arith.muli %mul3A_125, %scan3A_65 : i32
      %add3A_127 = arith.constant 1 : i32
      %add3A_128 = arith.addi %mul3A_126, %add3A_127 : i32
      %dma_start3A_129 = arith.constant 1 : i32
      %dma_start3A_130 = arith.constant 0 : i32
      %dma_start3A_131 = arith.constant 0 : i32
      %dma_start3A_132 = tpu.memref_slice %arg9[%dma_start3A_129, %dma_start3A_130, %dma_start3A_131] : memref<2x80x128xf32, #tpu.memory_space<vmem>> -> memref<1x80x128xf32, #tpu.memory_space<vmem>>
      %dma_start3A_133 = tpu.memref_squeeze %dma_start3A_132 : memref<1x80x128xf32, #tpu.memory_space<vmem>> -> memref<80x128xf32, #tpu.memory_space<vmem>>
      %dma_start3A_134 = arith.constant 0 : i32
      %dma_start3A_135 = tpu.memref_slice %arg8[%add3A_128, %dma_start3A_134] : memref<125x80xi32, #tpu.memory_space<vmem>> -> memref<1x80xi32, #tpu.memory_space<vmem>>
      %dma_start3A_136 = tpu.memref_squeeze %dma_start3A_135 : memref<1x80xi32, #tpu.memory_space<vmem>> -> memref<80xi32, #tpu.memory_space<vmem>>
      %dma_start3A_137 = arith.constant 0 : i32
      %dma_start3A_138 = arith.constant 0 : i32
      %dma_start3A_139 = tpu.memref_slice %arg13[%dma_start3A_137, %dma_start3A_138] : memref<10240x128xf32, #tpu.memory_space<vmem_shared>> -> memref<10240x128xf32, #tpu.memory_space<vmem_shared>>
      tpu.enqueue_indirect_dma source(%dma_start3A_133 : memref<80x128xf32, #tpu.memory_space<vmem>>) target(%dma_start3A_139 : memref<10240x128xf32, #tpu.memory_space<vmem_shared>>) offsets(%dma_start3A_136 : memref<80xi32, #tpu.memory_space<vmem>>) semaphore(%arg11 : memref<!tpu.dma_semaphore, #tpu.memory_space<semaphore_mem>>) {add = true}
      %dma_wait3A_140 = arith.constant 0 : i32
      %dma_wait3A_141 = arith.constant 0 : i32
      %dma_wait3A_142 = arith.constant 0 : i32
      %dma_wait3A_143 = tpu.memref_slice %arg9[%dma_wait3A_140, %dma_wait3A_141, %dma_wait3A_142] : memref<2x80x128xf32, #tpu.memory_space<vmem>> -> memref<1x80x128xf32, #tpu.memory_space<vmem>>
      %dma_wait3A_144 = tpu.memref_squeeze %dma_wait3A_143 : memref<1x80x128xf32, #tpu.memory_space<vmem>> -> memref<80x128xf32, #tpu.memory_space<vmem>>
      %dma_wait3A_145 = arith.constant 0 : i32
      %dma_wait3A_146 = tpu.memref_slice %arg8[%mul3A_104, %dma_wait3A_145] : memref<125x80xi32, #tpu.memory_space<vmem>> -> memref<1x80xi32, #tpu.memory_space<vmem>>
      %dma_wait3A_147 = tpu.memref_squeeze %dma_wait3A_146 : memref<1x80xi32, #tpu.memory_space<vmem>> -> memref<80xi32, #tpu.memory_space<vmem>>
      %dma_wait3A_148 = arith.constant 0 : i32
      %dma_wait3A_149 = arith.constant 0 : i32
      %dma_wait3A_150 = tpu.memref_slice %arg13[%dma_wait3A_148, %dma_wait3A_149] : memref<10240x128xf32, #tpu.memory_space<vmem_shared>> -> memref<10240x128xf32, #tpu.memory_space<vmem_shared>>
      tpu.wait_indirect_dma semaphore(%arg11 : memref<!tpu.dma_semaphore, #tpu.memory_space<semaphore_mem>>) src(%dma_wait3A_144 : memref<80x128xf32, #tpu.memory_space<vmem>>) dst(%dma_wait3A_150 : memref<10240x128xf32, #tpu.memory_space<vmem_shared>>)
      %dma_wait3A_151 = arith.constant 1 : i32
      %dma_wait3A_152 = arith.constant 0 : i32
      %dma_wait3A_153 = arith.constant 0 : i32
      %dma_wait3A_154 = tpu.memref_slice %arg9[%dma_wait3A_151, %dma_wait3A_152, %dma_wait3A_153] : memref<2x80x128xf32, #tpu.memory_space<vmem>> -> memref<1x80x128xf32, #tpu.memory_space<vmem>>
      %dma_wait3A_155 = tpu.memref_squeeze %dma_wait3A_154 : memref<1x80x128xf32, #tpu.memory_space<vmem>> -> memref<80x128xf32, #tpu.memory_space<vmem>>
      %dma_wait3A_156 = arith.constant 0 : i32
      %dma_wait3A_157 = tpu.memref_slice %arg8[%add3A_128, %dma_wait3A_156] : memref<125x80xi32, #tpu.memory_space<vmem>> -> memref<1x80xi32, #tpu.memory_space<vmem>>
      %dma_wait3A_158 = tpu.memref_squeeze %dma_wait3A_157 : memref<1x80xi32, #tpu.memory_space<vmem>> -> memref<80xi32, #tpu.memory_space<vmem>>
      %dma_wait3A_159 = arith.constant 0 : i32
      %dma_wait3A_160 = arith.constant 0 : i32
      %dma_wait3A_161 = tpu.memref_slice %arg13[%dma_wait3A_159, %dma_wait3A_160] : memref<10240x128xf32, #tpu.memory_space<vmem_shared>> -> memref<10240x128xf32, #tpu.memory_space<vmem_shared>>
      tpu.wait_indirect_dma semaphore(%arg11 : memref<!tpu.dma_semaphore, #tpu.memory_space<semaphore_mem>>) src(%dma_wait3A_155 : memref<80x128xf32, #tpu.memory_space<vmem>>) dst(%dma_wait3A_161 : memref<10240x128xf32, #tpu.memory_space<vmem_shared>>)
    }
    %scan3A_35 = arith.constant 62 : i32
    %dma_start3A_36 = arith.constant 0 : i32
    %dma_start3A_37 = arith.constant 0 : i32
    %dma_start3A_38 = arith.constant 0 : i32
    %dma_start3A_39 = tpu.memref_slice %arg9[%dma_start3A_36, %dma_start3A_37, %dma_start3A_38] : memref<2x80x128xf32, #tpu.memory_space<vmem>> -> memref<1x80x128xf32, #tpu.memory_space<vmem>>
    %dma_start3A_40 = tpu.memref_squeeze %dma_start3A_39 : memref<1x80x128xf32, #tpu.memory_space<vmem>> -> memref<80x128xf32, #tpu.memory_space<vmem>>
    %dma_start3A_41 = arith.constant 9920 : i32
    %dma_start3A_42 = tpu.memref_slice %arg7[%dma_start3A_41] : memref<10000xi32, #tpu.memory_space<vmem>> -> memref<80xi32, #tpu.memory_space<vmem>>
    %dma_start3A_43 = arith.constant 0 : i32
    %dma_start3A_44 = arith.constant 0 : i32
    %dma_start3A_45 = tpu.memref_slice %arg2[%dma_start3A_43, %dma_start3A_44] : memref<10000x128xf32, #tpu.memory_space<hbm>> -> memref<10000x128xf32, #tpu.memory_space<hbm>>
    tpu.enqueue_indirect_dma source(%dma_start3A_45 : memref<10000x128xf32, #tpu.memory_space<hbm>>) target(%dma_start3A_40 : memref<80x128xf32, #tpu.memory_space<vmem>>) offsets(%dma_start3A_42 : memref<80xi32, #tpu.memory_space<vmem>>) semaphore(%arg10 : memref<!tpu.dma_semaphore, #tpu.memory_space<semaphore_mem>>)
    %dma_wait3A_46 = arith.constant 0 : i32
    %dma_wait3A_47 = arith.constant 0 : i32
    %dma_wait3A_48 = arith.constant 0 : i32
    %dma_wait3A_49 = tpu.memref_slice %arg9[%dma_wait3A_46, %dma_wait3A_47, %dma_wait3A_48] : memref<2x80x128xf32, #tpu.memory_space<vmem>> -> memref<1x80x128xf32, #tpu.memory_space<vmem>>
    %dma_wait3A_50 = tpu.memref_squeeze %dma_wait3A_49 : memref<1x80x128xf32, #tpu.memory_space<vmem>> -> memref<80x128xf32, #tpu.memory_space<vmem>>
    %dma_wait3A_51 = arith.constant 9920 : i32
    %dma_wait3A_52 = tpu.memref_slice %arg7[%dma_wait3A_51] : memref<10000xi32, #tpu.memory_space<vmem>> -> memref<80xi32, #tpu.memory_space<vmem>>
    %dma_wait3A_53 = arith.constant 0 : i32
    %dma_wait3A_54 = arith.constant 0 : i32
    %dma_wait3A_55 = tpu.memref_slice %arg2[%dma_wait3A_53, %dma_wait3A_54] : memref<10000x128xf32, #tpu.memory_space<hbm>> -> memref<10000x128xf32, #tpu.memory_space<hbm>>
    tpu.wait_indirect_dma semaphore(%arg10 : memref<!tpu.dma_semaphore, #tpu.memory_space<semaphore_mem>>) src(%dma_wait3A_55 : memref<10000x128xf32, #tpu.memory_space<hbm>>) dst(%dma_wait3A_50 : memref<80x128xf32, #tpu.memory_space<vmem>>)
    %run_scoped3A = arith.constant 0 : i32
    %run_scoped3A_56 = arith.constant 124 : i32
    "tpu.region"() ({
      %run_scoped3A_65 = tpu.sem_alloc : memref<!tpu.dma_semaphore, #tpu.memory_space<semaphore_mem>>
      %dma_start3A_66 = arith.constant 0 : i32
      %dma_start3A_67 = arith.constant 0 : i32
      %dma_start3A_68 = tpu.memref_slice %arg9[%run_scoped3A, %dma_start3A_66, %dma_start3A_67] : memref<2x80x128xf32, #tpu.memory_space<vmem>> -> memref<1x80x128xf32, #tpu.memory_space<vmem>>
      %dma_start3A_69 = tpu.memref_squeeze %dma_start3A_68 : memref<1x80x128xf32, #tpu.memory_space<vmem>> -> memref<80x128xf32, #tpu.memory_space<vmem>>
      %dma_start3A_70 = arith.constant 0 : i32
      %dma_start3A_71 = tpu.memref_slice %arg8[%run_scoped3A_56, %dma_start3A_70] : memref<125x80xi32, #tpu.memory_space<vmem>> -> memref<1x80xi32, #tpu.memory_space<vmem>>
      %dma_start3A_72 = tpu.memref_squeeze %dma_start3A_71 : memref<1x80xi32, #tpu.memory_space<vmem>> -> memref<80xi32, #tpu.memory_space<vmem>>
      %dma_start3A_73 = arith.constant 0 : i32
      %dma_start3A_74 = arith.constant 0 : i32
      %dma_start3A_75 = tpu.memref_slice %arg13[%dma_start3A_73, %dma_start3A_74] : memref<10240x128xf32, #tpu.memory_space<vmem_shared>> -> memref<10240x128xf32, #tpu.memory_space<vmem_shared>>
      tpu.enqueue_indirect_dma source(%dma_start3A_69 : memref<80x128xf32, #tpu.memory_space<vmem>>) target(%dma_start3A_75 : memref<10240x128xf32, #tpu.memory_space<vmem_shared>>) offsets(%dma_start3A_72 : memref<80xi32, #tpu.memory_space<vmem>>) semaphore(%run_scoped3A_65 : memref<!tpu.dma_semaphore, #tpu.memory_space<semaphore_mem>>) {add = true}
      %dma_wait3A_76 = arith.constant 0 : i32
      %dma_wait3A_77 = arith.constant 0 : i32
      %dma_wait3A_78 = tpu.memref_slice %arg9[%run_scoped3A, %dma_wait3A_76, %dma_wait3A_77] : memref<2x80x128xf32, #tpu.memory_space<vmem>> -> memref<1x80x128xf32, #tpu.memory_space<vmem>>
      %dma_wait3A_79 = tpu.memref_squeeze %dma_wait3A_78 : memref<1x80x128xf32, #tpu.memory_space<vmem>> -> memref<80x128xf32, #tpu.memory_space<vmem>>
      %dma_wait3A_80 = arith.constant 0 : i32
      %dma_wait3A_81 = tpu.memref_slice %arg8[%run_scoped3A_56, %dma_wait3A_80] : memref<125x80xi32, #tpu.memory_space<vmem>> -> memref<1x80xi32, #tpu.memory_space<vmem>>
      %dma_wait3A_82 = tpu.memref_squeeze %dma_wait3A_81 : memref<1x80xi32, #tpu.memory_space<vmem>> -> memref<80xi32, #tpu.memory_space<vmem>>
      %dma_wait3A_83 = arith.constant 0 : i32
      %dma_wait3A_84 = arith.constant 0 : i32
      %dma_wait3A_85 = tpu.memref_slice %arg13[%dma_wait3A_83, %dma_wait3A_84] : memref<10240x128xf32, #tpu.memory_space<vmem_shared>> -> memref<10240x128xf32, #tpu.memory_space<vmem_shared>>
      tpu.wait_indirect_dma semaphore(%run_scoped3A_65 : memref<!tpu.dma_semaphore, #tpu.memory_space<semaphore_mem>>) src(%dma_wait3A_79 : memref<80x128xf32, #tpu.memory_space<vmem>>) dst(%dma_wait3A_85 : memref<10240x128xf32, #tpu.memory_space<vmem_shared>>)
      tpu.yield
    }) : () -> ()
    %barrier3A_57 = arith.constant 0 : index
    tpu.barrier barrier_id(%barrier3A_57)
    %mul3A_58 = arith.constant 640 : i32
    %mul3A_59 = arith.muli %arg1, %mul3A_58 : i32
    %mul3A_60 = arith.constant 10240 : i32
    %mul3A_61 = arith.muli %arg0, %mul3A_60 : i32
    %mul3A_62 = arith.constant 640 : i32
    %mul3A_63 = arith.muli %arg1, %mul3A_62 : i32
    %add3A_64 = arith.addi %mul3A_61, %mul3A_63 : i32
    "tpu.region"() ({
      %run_scoped3A_65 = tpu.sem_alloc : memref<!tpu.dma_semaphore, #tpu.memory_space<semaphore_mem>>
      %dma_start3A_66 = arith.constant 0 : i32
      %dma_start3A_67 = tpu.memref_slice %arg6[%add3A_64, %dma_start3A_66] : memref<20480x128xf32, #tpu.memory_space<hbm>> -> memref<640x128xf32, #tpu.memory_space<hbm>>
      %dma_start3A_68 = arith.constant 0 : i32
      %dma_start3A_69 = tpu.memref_slice %arg13[%mul3A_59, %dma_start3A_68] : memref<10240x128xf32, #tpu.memory_space<vmem_shared>> -> memref<640x128xf32, #tpu.memory_space<vmem_shared>>
      tpu.enqueue_dma source(%dma_start3A_69 : memref<640x128xf32, #tpu.memory_space<vmem_shared>>) target(%dma_start3A_67 : memref<640x128xf32, #tpu.memory_space<hbm>>) target_semaphore(%run_scoped3A_65 : memref<!tpu.dma_semaphore, #tpu.memory_space<semaphore_mem>>)
      %dma_wait3A_70 = arith.constant 0 : i32
      %dma_wait3A_71 = tpu.memref_slice %arg6[%add3A_64, %dma_wait3A_70] : memref<20480x128xf32, #tpu.memory_space<hbm>> -> memref<640x128xf32, #tpu.memory_space<hbm>>
      %dma_wait3A_72 = arith.constant 0 : i32
      %dma_wait3A_73 = tpu.memref_slice %arg13[%mul3A_59, %dma_wait3A_72] : memref<10240x128xf32, #tpu.memory_space<vmem_shared>> -> memref<640x128xf32, #tpu.memory_space<vmem_shared>>
      tpu.wait_dma2 semaphore(%run_scoped3A_65 : memref<!tpu.dma_semaphore, #tpu.memory_space<semaphore_mem>>) src(%dma_wait3A_73 : memref<640x128xf32, #tpu.memory_space<vmem_shared>>) dst(%dma_wait3A_71 : memref<640x128xf32, #tpu.memory_space<hbm>>)
      tpu.yield
    }) : () -> ()
    return
  }
}

module attributes {stable_mosaic.version = 14 : i64} {
  func.func @_prep_body(%arg0: i32, %arg1: memref<400x128xf32, #tpu.memory_space<vmem>>, %arg2: memref<400x128xf32, #tpu.memory_space<vmem>>, %arg3: memref<8x128x128xf32, #tpu.memory_space<vmem>>, %arg4: memref<8x128x128xf32, #tpu.memory_space<vmem>>, %arg5: memref<400x2xf32, #tpu.memory_space<vmem>>, %arg6: memref<400x128xf32, #tpu.memory_space<vmem>>) attributes {dimension_semantics = [#tpu.dimension_semantics<arbitrary>], iteration_bounds = array<i64: 25>, scalar_prefetch = 0 : i64, scratch_operands = 0 : i64, tpu.core_type = #tpu.core_type<tc>, window_params = [{transform_indices = @transform_0, window_bounds = array<i64: 400, 128>}, {transform_indices = @transform_1, window_bounds = array<i64: 400, 128>}, {pipeline_mode = #tpu.pipeline_mode<synchronous>, transform_indices = @transform_2, window_bounds = array<i64: 8, 128, 128>}, {pipeline_mode = #tpu.pipeline_mode<synchronous>, transform_indices = @transform_3, window_bounds = array<i64: 8, 128, 128>}, {transform_indices = @transform_4, window_bounds = array<i64: 400, 2>}, {transform_indices = @transform_5, window_bounds = array<i64: 400, 128>}]} {
    %get3A = arith.constant 0 : index
    %get3A_0 = arith.constant 0 : index
    %get3A_1 = arith.constant 0 : index
    %get3A_2 = vector.load %arg3[%get3A, %get3A_0, %get3A_1] : memref<8x128x128xf32, #tpu.memory_space<vmem>>, vector<8x128x128xf32>
    %reduce_sum3A = arith.constant dense<0.000000e+00> : vector<128x128xf32>
    %reduce_sum3A_3 = vector.multi_reduction <add>, %get3A_2, %reduce_sum3A [0] : vector<8x128x128xf32> to vector<128x128xf32>
    %div3A = arith.constant 8.000000e+00 : f32
    %div3A_4 = vector.broadcast %div3A : f32 to vector<128x128xf32>
    %div3A_5 = arith.divf %reduce_sum3A_3, %div3A_4 : vector<128x128xf32>
    %get3A_6 = arith.constant 0 : index
    %get3A_7 = arith.constant 0 : index
    %get3A_8 = arith.constant 0 : index
    %get3A_9 = vector.load %arg4[%get3A_6, %get3A_7, %get3A_8] : memref<8x128x128xf32, #tpu.memory_space<vmem>>, vector<8x128x128xf32>
    %reduce_sum3A_10 = arith.constant dense<0.000000e+00> : vector<128x128xf32>
    %reduce_sum3A_11 = vector.multi_reduction <add>, %get3A_9, %reduce_sum3A_10 [0] : vector<8x128x128xf32> to vector<128x128xf32>
    %div3A_12 = arith.constant 8.000000e+00 : f32
    %div3A_13 = vector.broadcast %div3A_12 : f32 to vector<128x128xf32>
    %div3A_14 = arith.divf %reduce_sum3A_11, %div3A_13 : vector<128x128xf32>
    %get3A_15 = arith.constant 0 : index
    %get3A_16 = arith.constant 0 : index
    %get3A_17 = vector.load %arg1[%get3A_15, %get3A_16] : memref<400x128xf32, #tpu.memory_space<vmem>>, vector<400x128xf32>
    %dot_general3A = arith.constant dense<0.000000e+00> : vector<400x128xf32>
    %dot_general3A_18 = tpu.matmul %get3A_17, %div3A_5, %dot_general3A {dimension_numbers = #tpu.dot_dimension_numbers<[1], [0], [0], [1], [0, 0, 1, 1], [], []>, transpose_lhs_hint = false} : vector<400x128xf32>, vector<128x128xf32>, vector<400x128xf32> -> vector<400x128xf32>
    %get3A_19 = arith.constant 0 : index
    %get3A_20 = arith.constant 0 : index
    %get3A_21 = vector.load %arg2[%get3A_19, %get3A_20] : memref<400x128xf32, #tpu.memory_space<vmem>>, vector<400x128xf32>
    %dot_general3A_22 = arith.constant dense<0.000000e+00> : vector<400x128xf32>
    %dot_general3A_23 = tpu.matmul %get3A_21, %div3A_14, %dot_general3A_22 {dimension_numbers = #tpu.dot_dimension_numbers<[1], [0], [0], [1], [0, 0, 1, 1], [], []>, transpose_lhs_hint = false} : vector<400x128xf32>, vector<128x128xf32>, vector<400x128xf32> -> vector<400x128xf32>
    %add3A = arith.addf %dot_general3A_18, %dot_general3A_23 : vector<400x128xf32>
    %get3A_24 = arith.constant 0 : index
    %get3A_25 = arith.constant 0 : index
    %get3A_26 = vector.load %arg5[%get3A_24, %get3A_25] : memref<400x2xf32, #tpu.memory_space<vmem>>, vector<400x1xf32>
    %get3A_27 = vector.shape_cast %get3A_26 : vector<400x1xf32> to vector<400xf32>
    %get3A_28 = arith.constant 0 : index
    %get3A_29 = arith.constant 1 : index
    %get3A_30 = vector.load %arg5[%get3A_28, %get3A_29] : memref<400x2xf32, #tpu.memory_space<vmem>>, vector<400x1xf32>
    %get3A_31 = vector.shape_cast %get3A_30 : vector<400x1xf32> to vector<400xf32>
    %add3A_32 = arith.addf %get3A_27, %get3A_31 : vector<400xf32>
    %add3A_33 = arith.constant 1.000000e+00 : f32
    %add3A_34 = vector.broadcast %add3A_33 : f32 to vector<400xf32>
    %add3A_35 = arith.addf %add3A_32, %add3A_34 : vector<400xf32>
    %rsqrt3A = math.rsqrt %add3A_35 : vector<400xf32>
    %broadcast_in_dim3A = vector.shape_cast %rsqrt3A : vector<400xf32> to vector<400x1xf32>
    %mul3A = vector.broadcast %broadcast_in_dim3A : vector<400x1xf32> to vector<400x128xf32>
    %mul3A_36 = arith.mulf %add3A, %mul3A : vector<400x128xf32>
    %swap3A = arith.constant 0 : index
    %swap3A_37 = arith.constant 0 : index
    %swap3A_38 = vector.load %arg6[%swap3A, %swap3A_37] : memref<400x128xf32, #tpu.memory_space<vmem>>, vector<400x128xf32>
    tpu.vector_store %arg6[%swap3A, %swap3A_37], %mul3A_36 {strides = array<i32>} : memref<400x128xf32, #tpu.memory_space<vmem>>, vector<400x128xf32>,
    return
  }
  func.func @transform_0(%arg0: i32) -> (i32, i32) {
    %c0_i32 = arith.constant 0 : i32
    %c0_i32_0 = arith.constant 0 : i32
    return %arg0, %c0_i32 : i32, i32
  }
  func.func @transform_1(%arg0: i32) -> (i32, i32) {
    %c0_i32 = arith.constant 0 : i32
    %c0_i32_0 = arith.constant 0 : i32
    return %arg0, %c0_i32 : i32, i32
  }
  func.func @transform_2(%arg0: i32) -> (i32, i32, i32) {
    %c0_i32 = arith.constant 0 : i32
    %c0_i32_0 = arith.constant 0 : i32
    %c0_i32_1 = arith.constant 0 : i32
    %c0_i32_2 = arith.constant 0 : i32
    return %c0_i32, %c0_i32_0, %c0_i32_1 : i32, i32, i32
  }
  func.func @transform_3(%arg0: i32) -> (i32, i32, i32) {
    %c0_i32 = arith.constant 0 : i32
    %c0_i32_0 = arith.constant 0 : i32
    %c0_i32_1 = arith.constant 0 : i32
    %c0_i32_2 = arith.constant 0 : i32
    return %c0_i32, %c0_i32_0, %c0_i32_1 : i32, i32, i32
  }
  func.func @transform_4(%arg0: i32) -> (i32, i32) {
    %c0_i32 = arith.constant 0 : i32
    %c0_i32_0 = arith.constant 0 : i32
    return %arg0, %c0_i32 : i32, i32
  }
  func.func @transform_5(%arg0: i32) -> (i32, i32) {
    %c0_i32 = arith.constant 0 : i32
    %c0_i32_0 = arith.constant 0 : i32
    return %arg0, %c0_i32 : i32, i32
  }
}

module attributes {stable_mosaic.version = 14 : i64} {
  func.func @_final_body(%arg0: i32, %arg1: memref<2x400x128xf32, #tpu.memory_space<vmem>>, %arg2: memref<400x128xf32, #tpu.memory_space<vmem>>, %arg3: memref<400x2xf32, #tpu.memory_space<vmem>>, %arg4: memref<8x128xf32, #tpu.memory_space<vmem>>, %arg5: memref<8x128xf32, #tpu.memory_space<vmem>>, %arg6: memref<400x128xf32, #tpu.memory_space<vmem>>) attributes {dimension_semantics = [#tpu.dimension_semantics<arbitrary>], iteration_bounds = array<i64: 25>, scalar_prefetch = 0 : i64, scratch_operands = 0 : i64, tpu.core_type = #tpu.core_type<tc>, window_params = [{transform_indices = @transform_0, window_bounds = array<i64: 2, 400, 128>}, {transform_indices = @transform_1, window_bounds = array<i64: 400, 128>}, {transform_indices = @transform_2, window_bounds = array<i64: 400, 2>}, {pipeline_mode = #tpu.pipeline_mode<synchronous>, transform_indices = @transform_3, window_bounds = array<i64: 8, 128>}, {pipeline_mode = #tpu.pipeline_mode<synchronous>, transform_indices = @transform_4, window_bounds = array<i64: 8, 128>}, {transform_indices = @transform_5, window_bounds = array<i64: 400, 128>}]} {
    %get3A = arith.constant 0 : index
    %get3A_0 = arith.constant 0 : index
    %get3A_1 = arith.constant 0 : index
    %get3A_2 = vector.load %arg1[%get3A, %get3A_0, %get3A_1] : memref<2x400x128xf32, #tpu.memory_space<vmem>>, vector<1x400x128xf32>
    %get3A_3 = vector.shape_cast %get3A_2 : vector<1x400x128xf32> to vector<400x128xf32>
    %get3A_4 = arith.constant 1 : index
    %get3A_5 = arith.constant 0 : index
    %get3A_6 = arith.constant 0 : index
    %get3A_7 = vector.load %arg1[%get3A_4, %get3A_5, %get3A_6] : memref<2x400x128xf32, #tpu.memory_space<vmem>>, vector<1x400x128xf32>
    %get3A_8 = vector.shape_cast %get3A_7 : vector<1x400x128xf32> to vector<400x128xf32>
    %add3A = arith.addf %get3A_3, %get3A_8 : vector<400x128xf32>
    %get3A_9 = arith.constant 0 : index
    %get3A_10 = arith.constant 0 : index
    %get3A_11 = vector.load %arg2[%get3A_9, %get3A_10] : memref<400x128xf32, #tpu.memory_space<vmem>>, vector<400x128xf32>
    %add3A_12 = arith.addf %add3A, %get3A_11 : vector<400x128xf32>
    %get3A_13 = arith.constant 0 : index
    %get3A_14 = arith.constant 0 : index
    %get3A_15 = vector.load %arg3[%get3A_13, %get3A_14] : memref<400x2xf32, #tpu.memory_space<vmem>>, vector<400x1xf32>
    %get3A_16 = vector.shape_cast %get3A_15 : vector<400x1xf32> to vector<400xf32>
    %get3A_17 = arith.constant 0 : index
    %get3A_18 = arith.constant 1 : index
    %get3A_19 = vector.load %arg3[%get3A_17, %get3A_18] : memref<400x2xf32, #tpu.memory_space<vmem>>, vector<400x1xf32>
    %get3A_20 = vector.shape_cast %get3A_19 : vector<400x1xf32> to vector<400xf32>
    %add3A_21 = arith.addf %get3A_16, %get3A_20 : vector<400xf32>
    %add3A_22 = arith.constant 1.000000e+00 : f32
    %add3A_23 = vector.broadcast %add3A_22 : f32 to vector<400xf32>
    %add3A_24 = arith.addf %add3A_21, %add3A_23 : vector<400xf32>
    %rsqrt3A = math.rsqrt %add3A_24 : vector<400xf32>
    %get3A_25 = arith.constant 0 : index
    %get3A_26 = arith.constant 0 : index
    %get3A_27 = vector.load %arg4[%get3A_25, %get3A_26] : memref<8x128xf32, #tpu.memory_space<vmem>>, vector<8x128xf32>
    %get3A_28 = arith.constant 0 : index
    %get3A_29 = arith.constant 0 : index
    %get3A_30 = vector.load %arg5[%get3A_28, %get3A_29] : memref<8x128xf32, #tpu.memory_space<vmem>>, vector<8x128xf32>
    %add3A_31 = arith.addf %get3A_27, %get3A_30 : vector<8x128xf32>
    %reduce_sum3A = arith.constant dense<0.000000e+00> : vector<128xf32>
    %reduce_sum3A_32 = vector.multi_reduction <add>, %add3A_31, %reduce_sum3A [0] : vector<8x128xf32> to vector<128xf32>
    %div3A = arith.constant 8.000000e+00 : f32
    %div3A_33 = vector.broadcast %div3A : f32 to vector<128xf32>
    %div3A_34 = arith.divf %reduce_sum3A_32, %div3A_33 : vector<128xf32>
    %broadcast_in_dim3A = vector.shape_cast %rsqrt3A : vector<400xf32> to vector<400x1xf32>
    %mul3A = vector.broadcast %broadcast_in_dim3A : vector<400x1xf32> to vector<400x128xf32>
    %mul3A_35 = arith.mulf %add3A_12, %mul3A : vector<400x128xf32>
    %broadcast_in_dim3A_36 = vector.shape_cast %div3A_34 : vector<128xf32> to vector<1x128xf32>
    %add3A_37 = vector.broadcast %broadcast_in_dim3A_36 : vector<1x128xf32> to vector<400x128xf32>
    %add3A_38 = arith.addf %mul3A_35, %add3A_37 : vector<400x128xf32>
    %swap3A = arith.constant 0 : index
    %swap3A_39 = arith.constant 0 : index
    %swap3A_40 = vector.load %arg6[%swap3A, %swap3A_39] : memref<400x128xf32, #tpu.memory_space<vmem>>, vector<400x128xf32>
    tpu.vector_store %arg6[%swap3A, %swap3A_39], %add3A_38 {strides = array<i32>} : memref<400x128xf32, #tpu.memory_space<vmem>>, vector<400x128xf32>,
    return
  }
  func.func @transform_0(%arg0: i32) -> (i32, i32, i32) {
    %c0_i32 = arith.constant 0 : i32
    %c0_i32_0 = arith.constant 0 : i32
    %c0_i32_1 = arith.constant 0 : i32
    return %c0_i32, %arg0, %c0_i32_0 : i32, i32, i32
  }
  func.func @transform_1(%arg0: i32) -> (i32, i32) {
    %c0_i32 = arith.constant 0 : i32
    %c0_i32_0 = arith.constant 0 : i32
    return %arg0, %c0_i32 : i32, i32
  }
  func.func @transform_2(%arg0: i32) -> (i32, i32) {
    %c0_i32 = arith.constant 0 : i32
    %c0_i32_0 = arith.constant 0 : i32
    return %arg0, %c0_i32 : i32, i32
  }
  func.func @transform_3(%arg0: i32) -> (i32, i32) {
    %c0_i32 = arith.constant 0 : i32
    %c0_i32_0 = arith.constant 0 : i32
    %c0_i32_1 = arith.constant 0 : i32
    return %c0_i32, %c0_i32_0 : i32, i32
  }
  func.func @transform_4(%arg0: i32) -> (i32, i32) {
    %c0_i32 = arith.constant 0 : i32
    %c0_i32_0 = arith.constant 0 : i32
    %c0_i32_1 = arith.constant 0 : i32
    return %c0_i32, %c0_i32_0 : i32, i32
  }
  func.func @transform_5(%arg0: i32) -> (i32, i32) {
    %c0_i32 = arith.constant 0 : i32
    %c0_i32_0 = arith.constant 0 : i32
    return %arg0, %c0_i32 : i32, i32
  }
}

</mosaic_0001>

<sc_bundles>
// kernel: kernel.6.cloned.1.call-start
scs
__scs_entry_jumppad:
0x0: {  	(pc) =	sbr.rel $0x88, $3  }
0x1: {  	(tag) =	ssettag $0x0;
	lr =	simm.s32 $0x1  }
0x2: {  	[smem:$0x3F9A] =	sst lr;
	_ =	strace $0xD0000000  }
0x3: {  	_ = 	snop  }
0x4: {  	_ = 	snop  }
0x5: {  	_ = 	snop  }
0x6: {  	_ = 	snop  }
0x7: {  	_ = 	snop  }
__scs_overlays_trampoline_lowered:
0x8: {  	[smem:$0x3FA9] =	sst s0  }
0x9: {  	[smem:$0x3FAA] =	sst s1  }
0xa: {  	[smem:$0x3FAB] =	sst s2  }
0xb: {  	[smem:$0x3FAC] =	sst s3  }
0xc: {  	[smem:$0x3FAD] =	sst s4  }
0xd: {  	[smem:$0x3FAE] =	sst s5  }
0xe: {  	[smem:$0x3FAF] =	sst s6  }
0xf: {  	[smem:$0x3FB0] =	sst s7  }
0x10: {  	[smem:$0x3FB1] =	sst s8  }
0x11: {  	[smem:$0x3FB2] =	sst s9;
	s0 =	simm.s32 @!p0 $0x0  }
0x12: {  	s1 =	sld [smem:$0x3F98];
	s0 =	simm.s32 @p0 $0x1  }
0x13: {  	[smem:$0x3FB3] =	sst s0;
	s0 =	simm.s32 @!p1 $0x0  }
0x14: {  	s2 =	sld [smem:$0x3F97];
	s0 =	simm.s32 @p1 $0x1  }
0x15: {  	[smem:$0x3FB4] =	sst s0;
	s0 =	simm.s32 @!p2 $0x0  }
0x16: {  	s3 =	sld [smem:$0x3FDB];
	s0 =	simm.s32 @p2 $0x1  }
0x17: {  	s4 =	simm.s32 $0x1BF5;
	[smem:$0x3FB6] =	sst s0  }
0x18: {  	s0 =	sld [smem:$0x3F99];
	_ =	swait.ge [sflag:s4], $0x0  }
0x19: {  	s7 =	sld [smem:$0x3F9A]  }
0x1a: {  	s8 =	sadd.s32 $0xFFFFE003, lr  }
0x1b: {  	s9 =	sadd.s32 $0xFFFFFEF7, lr;
	s5 =	simm.s32 $0xFFFFFFFF;
	p2 =	slt.u32 s8, $0xFFFFF086  }
0x1c: {  	p1 =	slt.u32 s9, $0xF7A;
	s5 =	simm.s32 @!p2 $0x0  }
0x1d: {  	s5 =	simm.s32 @p1 $0x1;
	p0 =	seq.s32 s7, s2  }
0x1e: {  	s7 =	smul.u32 @!p0 $0xF7A, s2;
	p2 =	seq.s32 @!p0 s5, $0x0  }
0x1f: {  	s9 =	smul.u32 $0xF7A, s1;
	s8 =	simm.s32 @!p0 $0x1BF5;
	p2 =	por !p2, p0  }
0x20: {  	[sflag:s8] =	ssyncset.s32 @!p0 $0xFFFFF086;
	s6 =	sadd.s32 @!p0 s3, s7;
	s7 =	simm.s32 @!p0 $0x108  }
0x21: {  	s3 =	sadd.s32 s3, s9;
	s6 =	sadd.s32 @!p0 $0x88, s6;
	s7 =	simm.s32 @p2 $0x1082  }
0x22: {  	[simem:s7], [sflag:s8] =	dma.local @!p0 [hbm:s6], $0xF7A  }
0x23: {  	s9 =	sor.u32 $0xD0000000, s2;
	s6 =	simm.s32 $0x108;
	_ =	swait.ge @!p0 [sflag:s8], $0x0  }
0x24: {  	s3 =	sadd.s32 $0x88, s3;
	s6 =	simm.s32 @!p1 $0x1082;
	[sflag:s4] =	ssyncset.s32 $0xFFFFF086  }
0x25: {  	[simem:s6], [sflag:s4] =	dma.local [hbm:s3], $0xF7A  }
0x26: {  	[smem:$0x3F9A] =	sst s1;
	(tag) =	ssettag s2;
	_ =	strace s9  }
0x27: {  	s1 =	sld [smem:$0x3FAA]  }
0x28: {  	s2 =	sld [smem:$0x3FAB]  }
0x29: {  	s4 =	sld [smem:$0x3FAD]  }
0x2a: {  	p0 =	seq.s32 s5, $0x0;
	s5 =	sld [smem:$0x3FAE]  }
0x2b: {  	s6 =	sld [smem:$0x3FAF]  }
0x2c: {  	s7 =	sld [smem:$0x3FB0]  }
0x2d: {  	s3 =	simm.s32 $0x108;
	s8 =	sld [smem:$0x3FB1]  }
0x2e: {  	s3 =	simm.s32 @!p0 $0x1082;
	s9 =	sld [smem:$0x3FB2]  }
0x2f: {  	lr =	sadd.s32 s0, s3;
	s0 =	sld [smem:$0x3FA9]  }
0x30: {  	s3 =	sld [smem:$0x3FAC]  }
0x31: {  	[smem:$0x3FB5] =	sst s10  }
0x32: {  	s10 =	sld [smem:$0x3FB3];
	_ =	sdelay $0x3  }
0x33: {  	p0 =	seq.s32 s10, $0x1;
	s10 =	sld [smem:$0x3FB5];
	_ =	sdelay $0x3  }
0x34: {  	[smem:$0x3FB5] =	sst s10  }
0x35: {  	s10 =	sld [smem:$0x3FB4];
	_ =	sdelay $0x3  }
0x36: {  	p1 =	seq.s32 s10, $0x1;
	s10 =	sld [smem:$0x3FB5];
	_ =	sdelay $0x3  }
0x37: {  	[smem:$0x3FB5] =	sst s10  }
0x38: {  	s10 =	sld [smem:$0x3FB6]  }
0x39: {  	_ = 	snop;
	(pc) =	sbr.ind lr, $3  }
0x3a: {  	_ = 	snop  }
0x3b: {  	_ = 	snop  }
0x3c: {  	p2 =	seq.s32 s10, $0x1;
	s10 =	sld [smem:$0x3FB5]  }
0x3d: {  	_ =	shalt  }
0x3e: {  	_ =	shalt  }
0x3f: {  	_ =	shalt  }
0x40: {  	_ =	shalt  }
0x41: {  	_ =	shalt  }
0x42: {  	_ =	shalt  }
0x43: {  	_ =	shalt  }
0x44: {  	_ =	shalt  }
0x45: {  	_ =	shalt  }
0x46: {  	_ =	shalt  }
0x47: {  	_ =	shalt  }
0x48: {  	_ =	shalt  }
0x49: {  	_ =	shalt  }
0x4a: {  	_ =	shalt  }
0x4b: {  	_ =	shalt  }
0x4c: {  	_ =	shalt  }
0x4d: {  	_ =	shalt  }
0x4e: {  	_ =	shalt  }
0x4f: {  	_ =	shalt  }
0x50: {  	_ =	shalt  }
0x51: {  	_ =	shalt  }
0x52: {  	_ =	shalt  }
0x53: {  	_ =	shalt  }
0x54: {  	_ =	shalt  }
0x55: {  	_ =	shalt  }
0x56: {  	_ =	shalt  }
0x57: {  	_ =	shalt  }
0x58: {  	_ =	shalt  }
0x59: {  	_ =	shalt  }
0x5a: {  	_ =	shalt  }
0x5b: {  	_ =	shalt  }
0x5c: {  	_ =	shalt  }
0x5d: {  	_ =	shalt  }
0x5e: {  	_ =	shalt  }
0x5f: {  	_ =	shalt  }
0x60: {  	_ =	shalt  }
0x61: {  	_ =	shalt  }
0x62: {  	_ =	shalt  }
0x63: {  	_ =	shalt  }
0x64: {  	_ =	shalt  }
0x65: {  	_ =	shalt  }
0x66: {  	_ =	shalt  }
0x67: {  	_ =	shalt  }
0x68: {  	_ =	shalt  }
0x69: {  	_ =	shalt  }
0x6a: {  	_ =	shalt  }
0x6b: {  	_ =	shalt  }
0x6c: {  	_ =	shalt  }
0x6d: {  	_ =	shalt  }
0x6e: {  	_ =	shalt  }
0x6f: {  	_ =	shalt  }
0x70: {  	_ =	shalt  }
0x71: {  	_ =	shalt  }
0x72: {  	_ =	shalt  }
0x73: {  	_ =	shalt  }
0x74: {  	_ =	shalt  }
0x75: {  	_ =	shalt  }
0x76: {  	_ =	shalt  }
0x77: {  	_ =	shalt  }
0x78: {  	_ =	shalt  }
0x79: {  	_ =	shalt  }
0x7a: {  	_ =	shalt  }
0x7b: {  	_ =	shalt  }
0x7c: {  	_ =	shalt  }
0x7d: {  	_ =	shalt  }
0x7e: {  	_ =	shalt  }
0x7f: {  	_ =	shalt  }
0x80: {  	_ =	shalt  }
0x81: {  	_ =	shalt  }
0x82: {  	_ =	shalt  }
0x83: {  	_ =	shalt  }
0x84: {  	_ =	shalt  }
0x85: {  	_ =	shalt  }
0x86: {  	_ =	shalt  }
0x87: {  	_ =	shalt  }
.Lfunc_end0:
.L_simem_size_0:
called_computation_lowered:
.L_overlay_start_0:
0x88: {  	s2 =	sld [smem:$0x3FD9]  }
0x89: {  	s3 =	sld [smem:$0x3FFE];
	_ =	sdelay $0x1  }
0x8a: {  	s1 =	srdreg.scid  }
0x8b: {  	s0 =	sand.u32 $0x1, s1  }
0x8c: {  	s17 =	sshll.u32 s0, $0xA;
	s2 =	sadd.s32 s3, s2  }
0x8d: {  	s2 =	sadd.s32 s2, s17  }
0x8e: {  	[smem:$0x3FC1] =	sst s2  }
0x8f: {  	_ = 	snop  }
0x90: {  	s2 =	sld [smem:$0x3FD0];
	(tm) =	ssettm $0x1  }
0x91: {  	s18 =	sld [smem:$0x3FFB];
	_ =	sdelay $0x3  }
0x92: {  	_ =	strace s18  }
0x93: {  	s3 =	sld [smem:$0x3FFC];
	_ =	sdelay $0x3  }
0x94: {  	_ =	strace s3  }
0x95: {  	s3 =	sld [smem:$0x3FFD];
	_ =	sdelay $0x3  }
0x96: {  	_ =	strace s3  }
0x97: {  	_ =	strace $0x8FFFFFFF  }
0x98: {  	s19 =	sld [smem:$0x3FDB];
	_ =	sdelay $0x1  }
0x99: {  	s4 =	simm.s32 $_scs_section_size  }
0x9a: {  	s5 =	simm.s32 $_size__tile_overlayer_lowered;
	s6 =	simm.s32 $_tile_overlayer_lowered  }
0x9b: {  	s22 =	simm.s32 $0x1BFF;
	s21 =	sshll.u32 s6, $0x1;
	s3 =	sadd.s32 s4, s19  }
0x9c: {  	s7 =	simm.s32 $0x0;
	s20 =	sshll.u32 s5, $0x1;
	s5 =	sadd.s32 s21, s3  }
0x9d: {  	[timem:s7], [sflag:s22] =	dma.local [hbm:s5], s20  }
0x9e: {  	_ =	swait.ge [sflag:s22], s20  }
0x9f: {  	s4 =	ssub.s32 $0x0, s20;
	[sflag:s22] =	ssyncset.done $0x0  }
0xa0: {  	[sflag:s22] =	ssyncadd.s32 s4;
	_ =	sdelay $0x1  }
0xa1: {  	s23 =	simm.s32 $0x1B8B  }
0xa2: {  	_ =	swait.ge [sflag:s23], $0x1  }
0xa3: {  	[sflag:s23] =	ssyncset.done $0x0  }
0xa4: {  	s25 =	simm.s32 $0x1B8E;
	s24 =	sld [smem:$0x3FFE];
	[sflag:s23] =	ssyncadd.s32 $0xFFFFFFFF  }
0xa5: {  	s26 =	simm.s32 $execute0_lowered;
	[smem:$0x3FD2] =	sst s25  }
0xa6: {  	s5 =	sshll.u32 s26, $0x1;
	_ =	strace $0x80000046;
	[dreg:$0x1] =	wrdreg $0xFFFFFFFF  }
0xa7: {  	s28 =	simm.s32 $_size_execute0_lowered;
	s3 =	sadd.s32 s3, s5;
	[dreg:$0x0] =	wrdreg $0x0  }
0xa8: {  	s5 =	sshll.u32 s28, $0x1;
	[dreg:$0x2] =	wrdreg s3  }
0xa9: {  	[dreg:$0x3] =	wrdreg s5  }
0xaa: {  	[dreg:$0x4] =	wrdreg $0xC0  }
0xab: {  	_ =	task [dreg:s7], $0x5FFFF  }
0xac: {  	[dreg:$0x1] =	wrdreg $0xFFFFFFFF  }
0xad: {  	[dreg:$0x0] =	wrdreg $0x60  }
0xae: {  	[dreg:$0x2] =	wrdreg s24  }
0xaf: {  	[dreg:$0x3] =	wrdreg s2  }
0xb0: {  	[dreg:$0x4] =	wrdreg $0x40800  }
0xb1: {  	[dreg:$0x5] =	wrdreg $0x9  }
0xb2: {  	_ =	task.clear_ibuf [dreg:s7], $0x6FFFF;
	_ =	strace $0x90000046  }
0xb3: {  	s29 =	simm.s32 $0x9;
	_ =	strace $0x80000048  }
0xb4: {  	_ =	swait.ge [sflag:s29], $0x1  }
0xb5: {  	[sflag:s29] =	ssyncadd.s32 $0xFFFFFFFF  }
0xb6: {  	_ =	strace $0x90000048  }
0xb7: {  	_ =	sfence  }
0xb8: {  	s30 =	sld [smem:$0x0];
	_ =	sdelay $0x2  }
0xb9: {  	s31 =	sshll.u32 s1, $0xD;
	s1 =	sshrl.u32 s1, $0x2  }
0xba: {  	s3 =	sand.u32 $0x4000, s31;
	s1 =	sadd.s32 s1, s30  }
0xbb: {  	s0 =	sor.u32 s3, s0;
	s1 =	sshll.u32 s1, $0x11  }
0xbc: {  	s0 =	sor.u32 s1, s0  }
0xbd: {  	s0 =	sadd.s32 $0x8F2B, s0  }
0xbe: {  	[sflag:s0] =	ssyncadd.remote.s32 $0x1  }
0xbf: {  	_ =	sfence.sel $0xFFFF  }
0xc0: {  	[dreg:$0x0] =	wrdreg $0xFFFFFFFF;
	(pc) =	sbr.abs _section_cstart, $3  }
0xc1: {  	[dreg:$0x1] =	wrdreg $0xFFFFFFFF  }
0xc2: {  	_ =	task.clear_ibuf [dreg:s7], $0x2FFFF;
	_ =	strace $0x9FFFFFFF  }
0xc3: {  	(tm) =	ssettm $0x7FFFFFFF  }
tec
execute0_lowered:
.L_overlay_start_1:
0x0: {  	(tag) =	ssettag $0x1  }
0x1: {  	s4 =	rddreg [dreg:$0x0]  }
0x2: {  	s7 =	rddreg [dreg:$0x1]  }
0x3: {  	s1 =	rddreg [dreg:$0x2]  }
0x4: {  	s0 =	rddreg [dreg:$0x3]  }
0x5: {  	s2 =	srdreg.scid;
	s3 =	simm.s32 $0x0;
	s13 =	simm.s32 $0x4000  }
0x6: {  	s14 =	simm.s32 $0x2;
	s15 =	simm.s32 $0x0;
	s5 =	sand.u32 $0x1, s2  }
0x7: {  	s2 =	stileid.u32;
	[smem:$0x7FF] =	sst s3;
	s6 =	sshll.u32 s5, $0xB  }
0x8: {  	s8 =	smul.u32 $0x280, s2;
	_ =	strace $0x80000047;
	s10 =	ssub.s32 $0x2, s5  }
0x9: {  	s11 =	sshll.u32 s2, $0xC;
	s5 =	smul.u32 $0x2800, s5;
	s31 =	sshll.u32 s2, $0x6  }
0xa: {  	s6 =	sadd.s32 s6, s4;
	s12 =	sshrl.u32 s10, $0x1;
	s9 =	sshrl.u32 s8, $0x3  }
0xb: {  	s6 =	sadd.s32 s11, s6;
	s10 =	ssub.s32 s10, s12;
	s30 =	sadd.s32 s8, s1  }
0xc: {  	s8 =	sadd.s32 s8, s5;
	s11 =	simm.s32 $0x1;
	s12 =	simm.s32 $0x50  }
0xd: {  	s9 =	sadd.s32 s9, s4;
	s4 =	sadd.s32 $0x1E00, s6;
	s8 =	sshrl.u32 s8, $0x3  }
0xe: {  	s6 =	sor.u32 $0x1C03, s31;
	s5 =	sadd.s32 $0x11E00, s9;
	s7 =	sadd.s32 s7, s8  }
0xf: {  	v0 =	vimm.f32 $1.000000000e+00;
	s8 =	smax.u32 s10, $0x1;
	s9 =	sshrl.u32 s30, $0x3;
	s10 =	simm.s32 $0x3  }
.LBB2_1:
0x10: {  	[tilespmem:s3], [sflag:$0x1] =	stream.linear.gather [hbm4b:s4+s3], $0x3E80, $0x38;
	[tilespmem:$0x4300] =	vst v63  }
0x11: {  	[tilespmem:$0x4000] =	vst v0  }
0x12: {  	[tilespmem:$0x4010] =	vst v0  }
0x13: {  	[tilespmem:$0x4020] =	vst v0  }
0x14: {  	[tilespmem:$0x4030] =	vst v0  }
0x15: {  	[tilespmem:$0x4040] =	vst v0  }
0x16: {  	[spmem:s9], [sflag:s6] =	dma.local [hbm:s5], $0x50  }
0x17: {  	_ =	swait.ge [sflag:s10], $0x50  }
0x18: {  	[sflag:s10] =	ssyncset.done $0x0  }
0x19: {  	[sflag:s10] =	ssyncadd.s32 $0xFFFFFFB0  }
0x1a: {  	_ =	swait.ge [sflag:s11], $0x3E80  }
0x1b: {  	[sflag:s11] =	ssyncset.done $0x0  }
0x1c: {  	[sflag:s11] =	ssyncadd.s32 $0xFFFFC180  }
0x1d: {  	s16 =	simm.s32 $0x0;
	[bflag:$0x0] =	sbarrier.arrive $0xFFFF  }
0x1e: {  	[spmem:s1] =	stream.indirect.scatter.add.f32 [tilespmem:s13], [sflag:$0x2], $0x1, s16, s12, $0xb8;
	[tilespmem:$0x4300] =	vst v63  }
0x1f: {  	s28 =	simm.s32 $0x80  }
0x20: {  	[spmem:s1] =	stream.indirect.scatter.add.f32 [tilespmem:s13], [sflag:$0x2], $0x1, s28, s12, $0xb8;
	[tilespmem:$0x4300] =	vst v63  }
0x21: {  	s29 =	simm.s32 $0x100  }
0x22: {  	[spmem:s1] =	stream.indirect.scatter.add.f32 [tilespmem:s13], [sflag:$0x2], $0x1, s29, s12, $0xb8;
	[tilespmem:$0x4300] =	vst v63  }
0x23: {  	s30 =	simm.s32 $0x180  }
0x24: {  	[spmem:s1] =	stream.indirect.scatter.add.f32 [tilespmem:s13], [sflag:$0x2], $0x1, s30, s12, $0xb8;
	[tilespmem:$0x4300] =	vst v63  }
0x25: {  	s31 =	simm.s32 $0x200  }
0x26: {  	[spmem:s1] =	stream.indirect.scatter.add.f32 [tilespmem:s13], [sflag:$0x2], $0x1, s31, s12, $0xb8;
	[tilespmem:$0x4300] =	vst v63  }
0x27: {  	_ =	swait.ge [sflag:s14], $0x50  }
0x28: {  	[sflag:s14] =	ssyncset.done $0x0  }
0x29: {  	[sflag:s14] =	ssyncadd.s32 $0xFFFFFFB0  }
0x2a: {  	_ =	swait.ge [sflag:s14], $0x50  }
0x2b: {  	[sflag:s14] =	ssyncset.done $0x0  }
0x2c: {  	[sflag:s14] =	ssyncadd.s32 $0xFFFFFFB0  }
0x2d: {  	_ =	swait.ge [sflag:s14], $0x50  }
0x2e: {  	[sflag:s14] =	ssyncset.done $0x0  }
0x2f: {  	[sflag:s14] =	ssyncadd.s32 $0xFFFFFFB0  }
0x30: {  	_ =	swait.ge [sflag:s14], $0x50  }
0x31: {  	[sflag:s14] =	ssyncset.done $0x0  }
0x32: {  	[sflag:s14] =	ssyncadd.s32 $0xFFFFFFB0  }
0x33: {  	_ =	swait.ge [sflag:s14], $0x50  }
0x34: {  	s17 =	simm.s32 $0x1400;
	s16 =	simm.s32 $0xA00;
	[sflag:s14] =	ssyncset.done $0x0  }
.LBB2_2:
0x35: {  	s18 =	sshra.s32 s16, $0x2  }
0x36: {  	[sflag:s14] =	ssyncadd.s32 $0xFFFFFFB0;
	s16 =	smov.u32 s17;
	s19 =	sadd.s32 $0xA00, s17  }
0x37: {  	[spmem:s1] =	stream.indirect.scatter.add.f32 [tilespmem:s13], [sflag:$0x2], $0x1, s18, s12, $0xb8;
	[tilespmem:$0x4300] =	vst v63  }
0x38: {  	p0 =	sne.s32 s17, $0xF000;
	s17 =	sadd.s32 $0x80, s18  }
0x39: {  	[spmem:s1] =	stream.indirect.scatter.add.f32 [tilespmem:s13], [sflag:$0x2], $0x1, s17, s12, $0xb8;
	[tilespmem:$0x4300] =	vst v63  }
0x3a: {  	s17 =	sadd.s32 $0x100, s18  }
0x3b: {  	[spmem:s1] =	stream.indirect.scatter.add.f32 [tilespmem:s13], [sflag:$0x2], $0x1, s17, s12, $0xb8;
	[tilespmem:$0x4300] =	vst v63  }
0x3c: {  	s17 =	sadd.s32 $0x180, s18  }
0x3d: {  	[spmem:s1] =	stream.indirect.scatter.add.f32 [tilespmem:s13], [sflag:$0x2], $0x1, s17, s12, $0xb8;
	[tilespmem:$0x4300] =	vst v63  }
0x3e: {  	s17 =	sadd.s32 $0x200, s18  }
0x3f: {  	[spmem:s1] =	stream.indirect.scatter.add.f32 [tilespmem:s13], [sflag:$0x2], $0x1, s17, s12, $0xb8;
	[tilespmem:$0x4300] =	vst v63  }
0x40: {  	_ =	swait.ge [sflag:s14], $0x50  }
0x41: {  	[sflag:s14] =	ssyncset.done $0x0  }
0x42: {  	[sflag:s14] =	ssyncadd.s32 $0xFFFFFFB0  }
0x43: {  	_ =	swait.ge [sflag:s14], $0x50  }
0x44: {  	[sflag:s14] =	ssyncset.done $0x0  }
0x45: {  	[sflag:s14] =	ssyncadd.s32 $0xFFFFFFB0  }
0x46: {  	_ =	swait.ge [sflag:s14], $0x50  }
0x47: {  	[sflag:s14] =	ssyncset.done $0x0  }
0x48: {  	[sflag:s14] =	ssyncadd.s32 $0xFFFFFFB0  }
.Ltmp0:
0x49: {  	_ =	swait.ge [sflag:s14], $0x50;
	(pc) =	sbr.rel @p0 .LBB2_2-.Ltmp0, $4  }
0x4a: {  	[sflag:s14] =	ssyncset.done $0x0  }
0x4b: {  	[sflag:s14] =	ssyncadd.s32 $0xFFFFFFB0  }
0x4c: {  	_ =	swait.ge [sflag:s14], $0x50  }
0x4d: {  	s17 =	smov.u32 s19;
	[sflag:s14] =	ssyncset.done $0x0  }
0x4e: {  	s16 =	sshra.s32 s16, $0x2;
	[sflag:s14] =	ssyncadd.s32 $0xFFFFFFB0  }
0x4f: {  	[spmem:s1] =	stream.indirect.scatter.add.f32 [tilespmem:s13], [sflag:$0x2], $0x1, s16, s12, $0xb8;
	[tilespmem:$0x4300] =	vst v63  }
0x50: {  	s17 =	sadd.s32 $0x80, s16  }
0x51: {  	[spmem:s1] =	stream.indirect.scatter.add.f32 [tilespmem:s13], [sflag:$0x2], $0x1, s17, s12, $0xb8;
	[tilespmem:$0x4300] =	vst v63  }
0x52: {  	s30 =	sadd.s32 $0x100, s16  }
0x53: {  	[spmem:s1] =	stream.indirect.scatter.add.f32 [tilespmem:s13], [sflag:$0x2], $0x1, s30, s12, $0xb8;
	[tilespmem:$0x4300] =	vst v63  }
0x54: {  	s31 =	sadd.s32 $0x180, s16  }
0x55: {  	[spmem:s1] =	stream.indirect.scatter.add.f32 [tilespmem:s13], [sflag:$0x2], $0x1, s31, s12, $0xb8;
	[tilespmem:$0x4300] =	vst v63  }
0x56: {  	s16 =	sadd.s32 $0x200, s16  }
0x57: {  	[spmem:s1] =	stream.indirect.scatter.add.f32 [tilespmem:s13], [sflag:$0x2], $0x1, s16, s12, $0xb8;
	[tilespmem:$0x4300] =	vst v63  }
0x58: {  	_ =	swait.ge [sflag:s14], $0x50  }
0x59: {  	[sflag:s14] =	ssyncset.done $0x0  }
0x5a: {  	[sflag:s14] =	ssyncadd.s32 $0xFFFFFFB0  }
0x5b: {  	_ =	swait.ge [sflag:s14], $0x50  }
0x5c: {  	[sflag:s14] =	ssyncset.done $0x0  }
0x5d: {  	[sflag:s14] =	ssyncadd.s32 $0xFFFFFFB0  }
0x5e: {  	_ =	swait.ge [sflag:s14], $0x50  }
0x5f: {  	[sflag:s14] =	ssyncset.done $0x0  }
0x60: {  	[sflag:s14] =	ssyncadd.s32 $0xFFFFFFB0  }
0x61: {  	_ =	swait.ge [sflag:s14], $0x50  }
0x62: {  	[sflag:s14] =	ssyncset.done $0x0  }
0x63: {  	[sflag:s14] =	ssyncadd.s32 $0xFFFFFFB0  }
0x64: {  	_ =	swait.ge [sflag:s14], $0x50  }
0x65: {  	s15 =	sadd.s32 $0x1, s15;
	[sflag:s14] =	ssyncset.done $0x0  }
0x66: {  	p0 =	sne.s32 s15, s8;
	[sflag:s14] =	ssyncadd.s32 $0xFFFFFFB0  }
.Ltmp1:
0x67: {  	[bflag:$0x0] =	sbarrier.arrive $0xFFFF;
	(pc) =	sbr.rel @p0 .LBB2_1-.Ltmp1, $4  }
0x68: {  	[hbm:s7], [sflag:s6] =	dma.local [spmem:s9], $0x50  }
0x69: {  	_ =	swait.ge [sflag:s10], $0x50  }
0x6a: {  	[sflag:s10] =	ssyncset.done $0x0  }
0x6b: {  	[sflag:s10] =	ssyncadd.s32 $0xFFFFFFB0  }
0x6c: {  	_ =	sfence.sel $0x180000  }
0x6d: {  	[bflag:$0x0] =	sbarrier.arrive $0xFFFF  }
0x6e: {  	p0 =	sne.s32 s2, $0x0;
	_ =	strace $0x90000047  }
0x6f: {  	s0 =	sadd.s32 @!p0 $0x100000, s0;
	[bflag:$0x2] =	sbarrier.arrive $0xFFFF  }
0x70: {  	[sflag:s0] =	ssyncadd.tile.s32 @!p0 $0x1;
	_ =	shalt  }
.Lfunc_end2:
_tile_overlayer_lowered:
.L_overlay_start_2:
0x71: {  	(tag) =	ssettag $0x2  }
0x72: {  	s0 =	rddreg [dreg:$0x0];
	s2 =	stileid.u32  }
0x73: {  	s1 =	rddreg [dreg:$0x1];
	p0 =	sne.s32 s2, $0x0  }
0x74: {  	s3 =	rddreg [dreg:$0x2];
	[bflag:$0x3] =	sbarrier.arrive $0xFFFF;
	s2 =	simm.s32 @!p0 $0x1C03  }
0x75: {  	[timem:s3], [sflag:s2] =	dma.local @!p0 [hbm:s0], s1  }
0x76: {  	s0 =	simm.s32 @!p0 $0x3  }
0x77: {  	_ =	swait.ge @!p0 [sflag:s0], s1  }
0x78: {  	s1 =	ssub.s32 @!p0 $0x0, s1;
	[sflag:s0] =	ssyncset.done @!p0 $0x0  }
0x79: {  	[sflag:s0] =	ssyncadd.s32 @!p0 s1  }
0x7a: {  	[bflag:$0x3] =	sbarrier.arrive $0xFFFF  }
0x7b: {  	_ =	shalt  }

// kernel: kernel.9.cloned.1.call-start
scs
__scs_entry_jumppad:
0x0: {  	(pc) =	sbr.rel $0x88, $3  }
0x1: {  	(tag) =	ssettag $0x0;
	lr =	simm.s32 $0x1  }
0x2: {  	[smem:$0x3F9A] =	sst lr;
	_ =	strace $0xD0000000  }
0x3: {  	_ = 	snop  }
0x4: {  	_ = 	snop  }
0x5: {  	_ = 	snop  }
0x6: {  	_ = 	snop  }
0x7: {  	_ = 	snop  }
__scs_overlays_trampoline_lowered:
0x8: {  	[smem:$0x3FA9] =	sst s0  }
0x9: {  	[smem:$0x3FAA] =	sst s1  }
0xa: {  	[smem:$0x3FAB] =	sst s2  }
0xb: {  	[smem:$0x3FAC] =	sst s3  }
0xc: {  	[smem:$0x3FAD] =	sst s4  }
0xd: {  	[smem:$0x3FAE] =	sst s5  }
0xe: {  	[smem:$0x3FAF] =	sst s6  }
0xf: {  	[smem:$0x3FB0] =	sst s7  }
0x10: {  	[smem:$0x3FB1] =	sst s8  }
0x11: {  	[smem:$0x3FB2] =	sst s9;
	s0 =	simm.s32 @!p0 $0x0  }
0x12: {  	s1 =	sld [smem:$0x3F98];
	s0 =	simm.s32 @p0 $0x1  }
0x13: {  	[smem:$0x3FB3] =	sst s0;
	s0 =	simm.s32 @!p1 $0x0  }
0x14: {  	s2 =	sld [smem:$0x3F97];
	s0 =	simm.s32 @p1 $0x1  }
0x15: {  	[smem:$0x3FB4] =	sst s0;
	s0 =	simm.s32 @!p2 $0x0  }
0x16: {  	s3 =	sld [smem:$0x3FDB];
	s0 =	simm.s32 @p2 $0x1  }
0x17: {  	s4 =	simm.s32 $0x1BF5;
	[smem:$0x3FB6] =	sst s0  }
0x18: {  	s0 =	sld [smem:$0x3F99];
	_ =	swait.ge [sflag:s4], $0x0  }
0x19: {  	s7 =	sld [smem:$0x3F9A]  }
0x1a: {  	s8 =	sadd.s32 $0xFFFFE003, lr  }
0x1b: {  	s9 =	sadd.s32 $0xFFFFFEF7, lr;
	s5 =	simm.s32 $0xFFFFFFFF;
	p2 =	slt.u32 s8, $0xFFFFF086  }
0x1c: {  	p1 =	slt.u32 s9, $0xF7A;
	s5 =	simm.s32 @!p2 $0x0  }
0x1d: {  	s5 =	simm.s32 @p1 $0x1;
	p0 =	seq.s32 s7, s2  }
0x1e: {  	s7 =	smul.u32 @!p0 $0xF7A, s2;
	p2 =	seq.s32 @!p0 s5, $0x0  }
0x1f: {  	s9 =	smul.u32 $0xF7A, s1;
	s8 =	simm.s32 @!p0 $0x1BF5;
	p2 =	por !p2, p0  }
0x20: {  	[sflag:s8] =	ssyncset.s32 @!p0 $0xFFFFF086;
	s6 =	sadd.s32 @!p0 s3, s7;
	s7 =	simm.s32 @!p0 $0x108  }
0x21: {  	s3 =	sadd.s32 s3, s9;
	s6 =	sadd.s32 @!p0 $0x88, s6;
	s7 =	simm.s32 @p2 $0x1082  }
0x22: {  	[simem:s7], [sflag:s8] =	dma.local @!p0 [hbm:s6], $0xF7A  }
0x23: {  	s9 =	sor.u32 $0xD0000000, s2;
	s6 =	simm.s32 $0x108;
	_ =	swait.ge @!p0 [sflag:s8], $0x0  }
0x24: {  	s3 =	sadd.s32 $0x88, s3;
	s6 =	simm.s32 @!p1 $0x1082;
	[sflag:s4] =	ssyncset.s32 $0xFFFFF086  }
0x25: {  	[simem:s6], [sflag:s4] =	dma.local [hbm:s3], $0xF7A  }
0x26: {  	[smem:$0x3F9A] =	sst s1;
	(tag) =	ssettag s2;
	_ =	strace s9  }
0x27: {  	s1 =	sld [smem:$0x3FAA]  }
0x28: {  	s2 =	sld [smem:$0x3FAB]  }
0x29: {  	s4 =	sld [smem:$0x3FAD]  }
0x2a: {  	p0 =	seq.s32 s5, $0x0;
	s5 =	sld [smem:$0x3FAE]  }
0x2b: {  	s6 =	sld [smem:$0x3FAF]  }
0x2c: {  	s7 =	sld [smem:$0x3FB0]  }
0x2d: {  	s3 =	simm.s32 $0x108;
	s8 =	sld [smem:$0x3FB1]  }
0x2e: {  	s3 =	simm.s32 @!p0 $0x1082;
	s9 =	sld [smem:$0x3FB2]  }
0x2f: {  	lr =	sadd.s32 s0, s3;
	s0 =	sld [smem:$0x3FA9]  }
0x30: {  	s3 =	sld [smem:$0x3FAC]  }
0x31: {  	[smem:$0x3FB5] =	sst s10  }
0x32: {  	s10 =	sld [smem:$0x3FB3];
	_ =	sdelay $0x3  }
0x33: {  	p0 =	seq.s32 s10, $0x1;
	s10 =	sld [smem:$0x3FB5];
	_ =	sdelay $0x3  }
0x34: {  	[smem:$0x3FB5] =	sst s10  }
0x35: {  	s10 =	sld [smem:$0x3FB4];
	_ =	sdelay $0x3  }
0x36: {  	p1 =	seq.s32 s10, $0x1;
	s10 =	sld [smem:$0x3FB5];
	_ =	sdelay $0x3  }
0x37: {  	[smem:$0x3FB5] =	sst s10  }
0x38: {  	s10 =	sld [smem:$0x3FB6]  }
0x39: {  	_ = 	snop;
	(pc) =	sbr.ind lr, $3  }
0x3a: {  	_ = 	snop  }
0x3b: {  	_ = 	snop  }
0x3c: {  	p2 =	seq.s32 s10, $0x1;
	s10 =	sld [smem:$0x3FB5]  }
0x3d: {  	_ =	shalt  }
0x3e: {  	_ =	shalt  }
0x3f: {  	_ =	shalt  }
0x40: {  	_ =	shalt  }
0x41: {  	_ =	shalt  }
0x42: {  	_ =	shalt  }
0x43: {  	_ =	shalt  }
0x44: {  	_ =	shalt  }
0x45: {  	_ =	shalt  }
0x46: {  	_ =	shalt  }
0x47: {  	_ =	shalt  }
0x48: {  	_ =	shalt  }
0x49: {  	_ =	shalt  }
0x4a: {  	_ =	shalt  }
0x4b: {  	_ =	shalt  }
0x4c: {  	_ =	shalt  }
0x4d: {  	_ =	shalt  }
0x4e: {  	_ =	shalt  }
0x4f: {  	_ =	shalt  }
0x50: {  	_ =	shalt  }
0x51: {  	_ =	shalt  }
0x52: {  	_ =	shalt  }
0x53: {  	_ =	shalt  }
0x54: {  	_ =	shalt  }
0x55: {  	_ =	shalt  }
0x56: {  	_ =	shalt  }
0x57: {  	_ =	shalt  }
0x58: {  	_ =	shalt  }
0x59: {  	_ =	shalt  }
0x5a: {  	_ =	shalt  }
0x5b: {  	_ =	shalt  }
0x5c: {  	_ =	shalt  }
0x5d: {  	_ =	shalt  }
0x5e: {  	_ =	shalt  }
0x5f: {  	_ =	shalt  }
0x60: {  	_ =	shalt  }
0x61: {  	_ =	shalt  }
0x62: {  	_ =	shalt  }
0x63: {  	_ =	shalt  }
0x64: {  	_ =	shalt  }
0x65: {  	_ =	shalt  }
0x66: {  	_ =	shalt  }
0x67: {  	_ =	shalt  }
0x68: {  	_ =	shalt  }
0x69: {  	_ =	shalt  }
0x6a: {  	_ =	shalt  }
0x6b: {  	_ =	shalt  }
0x6c: {  	_ =	shalt  }
0x6d: {  	_ =	shalt  }
0x6e: {  	_ =	shalt  }
0x6f: {  	_ =	shalt  }
0x70: {  	_ =	shalt  }
0x71: {  	_ =	shalt  }
0x72: {  	_ =	shalt  }
0x73: {  	_ =	shalt  }
0x74: {  	_ =	shalt  }
0x75: {  	_ =	shalt  }
0x76: {  	_ =	shalt  }
0x77: {  	_ =	shalt  }
0x78: {  	_ =	shalt  }
0x79: {  	_ =	shalt  }
0x7a: {  	_ =	shalt  }
0x7b: {  	_ =	shalt  }
0x7c: {  	_ =	shalt  }
0x7d: {  	_ =	shalt  }
0x7e: {  	_ =	shalt  }
0x7f: {  	_ =	shalt  }
0x80: {  	_ =	shalt  }
0x81: {  	_ =	shalt  }
0x82: {  	_ =	shalt  }
0x83: {  	_ =	shalt  }
0x84: {  	_ =	shalt  }
0x85: {  	_ =	shalt  }
0x86: {  	_ =	shalt  }
0x87: {  	_ =	shalt  }
.Lfunc_end0:
.L_simem_size_0:
called_computation.1_lowered:
.L_overlay_start_0:
0x88: {  	s2 =	sld [smem:$0x3FD9]  }
0x89: {  	s3 =	sld [smem:$0x3FFE];
	_ =	sdelay $0x1  }
0x8a: {  	s1 =	srdreg.scid  }
0x8b: {  	s0 =	sand.u32 $0x1, s1  }
0x8c: {  	s17 =	sshll.u32 s0, $0xA;
	s2 =	sadd.s32 s3, s2  }
0x8d: {  	s2 =	sadd.s32 s2, s17  }
0x8e: {  	[smem:$0x3FC1] =	sst s2  }
0x8f: {  	_ = 	snop  }
0x90: {  	s2 =	sld [smem:$0x3FD0];
	(tm) =	ssettm $0x1  }
0x91: {  	s18 =	sld [smem:$0x3FFB];
	_ =	sdelay $0x3  }
0x92: {  	_ =	strace s18  }
0x93: {  	s3 =	sld [smem:$0x3FFC];
	_ =	sdelay $0x3  }
0x94: {  	_ =	strace s3  }
0x95: {  	s3 =	sld [smem:$0x3FFD];
	_ =	sdelay $0x3  }
0x96: {  	_ =	strace s3  }
0x97: {  	_ =	strace $0x8FFFFFFF  }
0x98: {  	s19 =	sld [smem:$0x3FDB];
	_ =	sdelay $0x1  }
0x99: {  	s4 =	simm.s32 $_scs_section_size  }
0x9a: {  	s5 =	simm.s32 $_size__tile_overlayer_lowered;
	s6 =	simm.s32 $_tile_overlayer_lowered  }
0x9b: {  	s22 =	simm.s32 $0x1BFF;
	s21 =	sshll.u32 s6, $0x1;
	s3 =	sadd.s32 s4, s19  }
0x9c: {  	s7 =	simm.s32 $0x0;
	s20 =	sshll.u32 s5, $0x1;
	s5 =	sadd.s32 s21, s3  }
0x9d: {  	[timem:s7], [sflag:s22] =	dma.local [hbm:s5], s20  }
0x9e: {  	_ =	swait.ge [sflag:s22], s20  }
0x9f: {  	s4 =	ssub.s32 $0x0, s20;
	[sflag:s22] =	ssyncset.done $0x0  }
0xa0: {  	[sflag:s22] =	ssyncadd.s32 s4;
	_ =	sdelay $0x1  }
0xa1: {  	s23 =	simm.s32 $0x1B8B  }
0xa2: {  	_ =	swait.ge [sflag:s23], $0x1  }
0xa3: {  	[sflag:s23] =	ssyncset.done $0x0  }
0xa4: {  	s25 =	simm.s32 $0x1B8E;
	s24 =	sld [smem:$0x3FFE];
	[sflag:s23] =	ssyncadd.s32 $0xFFFFFFFF  }
0xa5: {  	s26 =	simm.s32 $execute0_lowered;
	[smem:$0x3FD2] =	sst s25  }
0xa6: {  	s5 =	sshll.u32 s26, $0x1;
	_ =	strace $0x80000049;
	[dreg:$0x1] =	wrdreg $0xFFFFFFFF  }
0xa7: {  	s28 =	simm.s32 $_size_execute0_lowered;
	s3 =	sadd.s32 s3, s5;
	[dreg:$0x0] =	wrdreg $0x0  }
0xa8: {  	s5 =	sshll.u32 s28, $0x1;
	[dreg:$0x2] =	wrdreg s3  }
0xa9: {  	[dreg:$0x3] =	wrdreg s5  }
0xaa: {  	[dreg:$0x4] =	wrdreg $0xC0  }
0xab: {  	_ =	task [dreg:s7], $0x5FFFF  }
0xac: {  	[dreg:$0x1] =	wrdreg $0xFFFFFFFF  }
0xad: {  	[dreg:$0x0] =	wrdreg $0x60  }
0xae: {  	[dreg:$0x2] =	wrdreg s2  }
0xaf: {  	[dreg:$0x3] =	wrdreg s24  }
0xb0: {  	[dreg:$0x4] =	wrdreg $0xB7800  }
0xb1: {  	[dreg:$0x5] =	wrdreg $0x9  }
0xb2: {  	_ =	task.clear_ibuf [dreg:s7], $0x6FFFF;
	_ =	strace $0x90000049  }
0xb3: {  	s29 =	simm.s32 $0x9;
	_ =	strace $0x8000004B  }
0xb4: {  	_ =	swait.ge [sflag:s29], $0x1  }
0xb5: {  	[sflag:s29] =	ssyncadd.s32 $0xFFFFFFFF  }
0xb6: {  	_ =	strace $0x9000004B  }
0xb7: {  	_ =	sfence  }
0xb8: {  	s30 =	sld [smem:$0x0];
	_ =	sdelay $0x2  }
0xb9: {  	s31 =	sshll.u32 s1, $0xD;
	s1 =	sshrl.u32 s1, $0x2  }
0xba: {  	s3 =	sand.u32 $0x4000, s31;
	s1 =	sadd.s32 s1, s30  }
0xbb: {  	s0 =	sor.u32 s3, s0;
	s1 =	sshll.u32 s1, $0x11  }
0xbc: {  	s0 =	sor.u32 s1, s0  }
0xbd: {  	s0 =	sadd.s32 $0x8F2B, s0  }
0xbe: {  	[sflag:s0] =	ssyncadd.remote.s32 $0x1  }
0xbf: {  	_ =	sfence.sel $0xFFFF  }
0xc0: {  	[dreg:$0x0] =	wrdreg $0xFFFFFFFF;
	(pc) =	sbr.abs _section_cstart, $3  }
0xc1: {  	[dreg:$0x1] =	wrdreg $0xFFFFFFFF  }
0xc2: {  	_ =	task.clear_ibuf [dreg:s7], $0x2FFFF;
	_ =	strace $0x9FFFFFFF  }
0xc3: {  	(tm) =	ssettm $0x7FFFFFFF  }
tec
execute0_lowered:
.L_overlay_start_1:
0x0: {  	(tag) =	ssettag $0x1  }
0x1: {  	s2 =	srdreg.scid;
	s1 =	rddreg [dreg:$0x0]  }
0x2: {  	s0 =	stileid.u32;
	s6 =	rddreg [dreg:$0x1]  }
0x3: {  	s3 =	rddreg [dreg:$0x2];
	s4 =	simm.s32 $0x0;
	s14 =	simm.s32 $0x4  }
0x4: {  	s15 =	simm.s32 $0x3;
	s16 =	simm.s32 $0x50;
	s17 =	simm.s32 $0x6780  }
0x5: {  	s18 =	simm.s32 $0x8F80;
	s19 =	simm.s32 $0x1;
	s20 =	simm.s32 $0x2  }
0x6: {  	s21 =	simm.s32 $0x26C0;
	s22 =	simm.s32 $0x6580;
	s23 =	simm.s32 $0x0  }
0x7: {  	s5 =	sand.u32 $0x1, s2;
	s25 =	sshll.u32 s0, $0x1;
	s28 =	smul.u32 $0x2800, s0  }
0x8: {  	s26 =	sshrl.u32 s0, $0x2;
	s2 =	rddreg [dreg:$0x3];
	s12 =	smul.u32 $0x50000, s0  }
0x9: {  	[smem:$0x7FF] =	sst s4;
	s31 =	sshll.u32 s0, $0x6;
	s8 =	smul.u32 $0x13C00, s26  }
0xa: {  	s7 =	sor.u32 s5, s25;
	_ =	strace $0x8000004A;
	s10 =	smul.u32 $0x28000, s5  }
0xb: {  	s5 =	ssub.s32 $0x2, s5;
	s9 =	sshll.u32 s7, $0x7;
	s7 =	sshll.u32 s7, $0xB  }
0xc: {  	s11 =	sadd.s32 s28, s6;
	s29 =	sshrl.u32 s5, $0x1;
	s30 =	sshrl.u32 s12, $0x2  }
0xd: {  	s12 =	simm.s32 $0x400;
	s9 =	sand.u32 $0x380, s9;
	s7 =	sadd.s32 s7, s6  }
0xe: {  	s13 =	sadd.s32 s30, s3;
	s8 =	sor.u32 s8, s9;
	s9 =	sadd.s32 s28, s10  }
0xf: {  	s10 =	ssub.s32 s5, s29;
	s13 =	sshrl.u32 s13, $0x3;
	s8 =	sshrl.u32 s8, $0x3  }
0x10: {  	s9 =	sadd.s32 s9, s6;
	s10 =	smax.u32 s10, $0x1;
	s8 =	sadd.s32 s8, s6  }
0x11: {  	s6 =	sadd.s32 $0x1E00, s7;
	s7 =	sadd.s32 $0x1C200, s11;
	s9 =	sadd.s32 $0x44200, s9  }
0x12: {  	s11 =	simm.s32 $0x80;
	s5 =	sadd.s32 $0x12400, s8;
	s8 =	sor.u32 $0x1C04, s31  }
.LBB2_1:
0x13: {  	[tilespmem:s4], [sflag:$0x3] =	stream.strided.gather [hbm4b:s5+s11], $0x2780, s12, s11, $0x38;
	[tilespmem:$0x1F780] =	vst v63  }
0x14: {  	s24 =	simm.s32 $0x2780  }
0x15: {  	[tilespmem:s24], [sflag:$0x3] =	stream.linear.gather [hbm4b:s6+s4], $0x3E80, $0x38;
	[tilespmem:$0x1F780] =	vst v63  }
0x16: {  	[spmem:s13], [sflag:s8] =	dma.local [hbm:s7], $0x2800  }
0x17: {  	_ =	swait.ge [sflag:s14], $0x2800  }
0x18: {  	[sflag:s14] =	ssyncset.done $0x0  }
0x19: {  	[sflag:s14] =	ssyncadd.s32 $0xFFFFD800  }
0x1a: {  	_ =	swait.ge [sflag:s15], $0x2780  }
0x1b: {  	[sflag:s15] =	ssyncset.done $0x0  }
0x1c: {  	[sflag:s15] =	ssyncadd.s32 $0xFFFFD880  }
0x1d: {  	_ =	swait.ge [sflag:s15], $0x3E80  }
0x1e: {  	[sflag:s15] =	ssyncset.done $0x0  }
0x1f: {  	[sflag:s15] =	ssyncadd.s32 $0xFFFFC180  }
0x20: {  	s25 =	simm.s32 $0x0;
	[bflag:$0x0] =	sbarrier.arrive $0xFFFF  }
0x21: {  	[tilespmem:s17], [sflag:$0x1] =	stream.indirect.gather [hbm4b:s1+s16], $0x80, s25, s16, $0xb8;
	[tilespmem:$0x1F780] =	vst v63  }
0x22: {  	s30 =	simm.s32 $0x50  }
0x23: {  	[tilespmem:s18], [sflag:$0x1] =	stream.indirect.gather [hbm4b:s1+s16], $0x80, s30, s16, $0xb8;
	[tilespmem:$0x1F780] =	vst v63  }
0x24: {  	_ =	swait.ge [sflag:s19], $0x2800  }
0x25: {  	[sflag:s19] =	ssyncset.done $0x0  }
0x26: {  	[sflag:s19] =	ssyncadd.s32 $0xFFFFD800  }
0x27: {  	[spmem:s3] =	stream.indirect.scatter.add.f32 [tilespmem:s17], [sflag:$0x2], $0x80, s24, s16, $0xb8;
	[tilespmem:$0x1F780] =	vst v63  }
0x28: {  	_ =	swait.ge [sflag:s19], $0x2800  }
0x29: {  	[sflag:s19] =	ssyncset.done $0x0  }
0x2a: {  	s31 =	simm.s32 $0x2800;
	[sflag:s19] =	ssyncadd.s32 $0xFFFFD800  }
0x2b: {  	[spmem:s3] =	stream.indirect.scatter.add.f32 [tilespmem:s18], [sflag:$0x2], $0x80, s31, s16, $0xb8;
	[tilespmem:$0x1F780] =	vst v63  }
0x2c: {  	_ =	swait.ge [sflag:s20], $0x2800  }
0x2d: {  	[sflag:s20] =	ssyncset.done $0x0  }
0x2e: {  	[sflag:s20] =	ssyncadd.s32 $0xFFFFD800  }
0x2f: {  	s26 =	simm.s32 $0x500;
	_ =	swait.ge [sflag:s20], $0x2800  }
0x30: {  	s25 =	simm.s32 $0x280;
	s24 =	simm.s32 $0x2880;
	[sflag:s20] =	ssyncset.done $0x0  }
.LBB2_2:
0x31: {  	s28 =	sshra.s32 s25, $0x2  }
0x32: {  	[sflag:s20] =	ssyncadd.s32 $0xFFFFD800;
	s25 =	smov.u32 s26;
	s29 =	sadd.s32 $0x280, s26  }
0x33: {  	[tilespmem:s17], [sflag:$0x1] =	stream.indirect.gather [hbm4b:s1+s16], $0x80, s28, s16, $0xb8;
	[tilespmem:$0x1F780] =	vst v63  }
0x34: {  	p0 =	sne.s32 s26, $0x9880;
	s26 =	sadd.s32 $0x50, s28  }
0x35: {  	[tilespmem:s18], [sflag:$0x1] =	stream.indirect.gather [hbm4b:s1+s16], $0x80, s26, s16, $0xb8;
	[tilespmem:$0x1F780] =	vst v63  }
0x36: {  	_ =	swait.ge [sflag:s19], $0x2800  }
0x37: {  	[sflag:s19] =	ssyncset.done $0x0  }
0x38: {  	[sflag:s19] =	ssyncadd.s32 $0xFFFFD800  }
0x39: {  	[spmem:s3] =	stream.indirect.scatter.add.f32 [tilespmem:s17], [sflag:$0x2], $0x80, s24, s16, $0xb8;
	[tilespmem:$0x1F780] =	vst v63  }
0x3a: {  	_ =	swait.ge [sflag:s19], $0x2800  }
0x3b: {  	[sflag:s19] =	ssyncset.done $0x0  }
0x3c: {  	s26 =	sadd.s32 $0x80, s24;
	[sflag:s19] =	ssyncadd.s32 $0xFFFFD800  }
0x3d: {  	[spmem:s3] =	stream.indirect.scatter.add.f32 [tilespmem:s18], [sflag:$0x2], $0x80, s26, s16, $0xb8;
	[tilespmem:$0x1F780] =	vst v63  }
.Ltmp0:
0x3e: {  	_ =	swait.ge [sflag:s20], $0x2800;
	(pc) =	sbr.rel @p0 .LBB2_2-.Ltmp0, $4  }
0x3f: {  	[sflag:s20] =	ssyncset.done $0x0  }
0x40: {  	[sflag:s20] =	ssyncadd.s32 $0xFFFFD800  }
0x41: {  	_ =	swait.ge [sflag:s20], $0x2800  }
0x42: {  	s24 =	sadd.s32 $0x100, s24;
	s26 =	smov.u32 s29;
	[sflag:s20] =	ssyncset.done $0x0  }
0x43: {  	s25 =	sshra.s32 s25, $0x2;
	[sflag:s20] =	ssyncadd.s32 $0xFFFFD800  }
0x44: {  	[tilespmem:s17], [sflag:$0x1] =	stream.indirect.gather [hbm4b:s1+s16], $0x80, s25, s16, $0xb8;
	[tilespmem:$0x1F780] =	vst v63  }
0x45: {  	s25 =	sadd.s32 $0x50, s25  }
0x46: {  	[tilespmem:s18], [sflag:$0x1] =	stream.indirect.gather [hbm4b:s1+s16], $0x80, s25, s16, $0xb8;
	[tilespmem:$0x1F780] =	vst v63  }
0x47: {  	_ =	swait.ge [sflag:s19], $0x2800  }
0x48: {  	[sflag:s19] =	ssyncset.done $0x0  }
0x49: {  	[sflag:s19] =	ssyncadd.s32 $0xFFFFD800  }
0x4a: {  	[spmem:s3] =	stream.indirect.scatter.add.f32 [tilespmem:s17], [sflag:$0x2], $0x80, s24, s16, $0xb8;
	[tilespmem:$0x1F780] =	vst v63  }
0x4b: {  	_ =	swait.ge [sflag:s19], $0x2800  }
0x4c: {  	[sflag:s19] =	ssyncset.done $0x0  }
0x4d: {  	s31 =	sadd.s32 $0x80, s24;
	[sflag:s19] =	ssyncadd.s32 $0xFFFFD800  }
0x4e: {  	[spmem:s3] =	stream.indirect.scatter.add.f32 [tilespmem:s18], [sflag:$0x2], $0x80, s31, s16, $0xb8;
	[tilespmem:$0x1F780] =	vst v63  }
0x4f: {  	_ =	swait.ge [sflag:s20], $0x2800  }
0x50: {  	[sflag:s20] =	ssyncset.done $0x0  }
0x51: {  	[sflag:s20] =	ssyncadd.s32 $0xFFFFD800  }
0x52: {  	_ =	swait.ge [sflag:s20], $0x2800  }
0x53: {  	[sflag:s20] =	ssyncset.done $0x0  }
0x54: {  	[sflag:s20] =	ssyncadd.s32 $0xFFFFD800  }
0x55: {  	[tilespmem:s17], [sflag:$0x1] =	stream.indirect.gather [hbm4b:s1+s16], $0x80, s21, s16, $0xb8;
	[tilespmem:$0x1F780] =	vst v63  }
0x56: {  	_ =	swait.ge [sflag:s19], $0x2800  }
0x57: {  	[sflag:s19] =	ssyncset.done $0x0  }
0x58: {  	[sflag:s19] =	ssyncadd.s32 $0xFFFFD800  }
0x59: {  	[spmem:s3] =	stream.indirect.scatter.add.f32 [tilespmem:s17], [sflag:$0x4], $0x80, s22, s16, $0xb8;
	[tilespmem:$0x1F780] =	vst v63  }
0x5a: {  	_ =	swait.ge [sflag:s14], $0x2800  }
0x5b: {  	s23 =	sadd.s32 $0x1, s23;
	[sflag:s14] =	ssyncset.done $0x0  }
0x5c: {  	p0 =	sne.s32 s23, s10;
	[sflag:s14] =	ssyncadd.s32 $0xFFFFD800  }
.Ltmp1:
0x5d: {  	[bflag:$0x0] =	sbarrier.arrive $0xFFFF;
	(pc) =	sbr.rel @p0 .LBB2_1-.Ltmp1, $4  }
0x5e: {  	[hbm:s9], [sflag:s8] =	dma.local [spmem:s13], $0x2800  }
0x5f: {  	_ =	swait.ge [sflag:s14], $0x2800  }
0x60: {  	[sflag:s14] =	ssyncset.done $0x0  }
0x61: {  	[sflag:s14] =	ssyncadd.s32 $0xFFFFD800  }
0x62: {  	_ =	sfence.sel $0x180000  }
0x63: {  	[bflag:$0x0] =	sbarrier.arrive $0xFFFF  }
0x64: {  	p0 =	sne.s32 s0, $0x0;
	_ =	strace $0x9000004A  }
0x65: {  	s0 =	sadd.s32 @!p0 $0x100000, s2;
	[bflag:$0x2] =	sbarrier.arrive $0xFFFF  }
0x66: {  	[sflag:s0] =	ssyncadd.tile.s32 @!p0 $0x1;
	_ =	shalt  }
.Lfunc_end2:
_tile_overlayer_lowered:
.L_overlay_start_2:
0x67: {  	(tag) =	ssettag $0x2  }
0x68: {  	s0 =	rddreg [dreg:$0x0];
	s2 =	stileid.u32  }
0x69: {  	s1 =	rddreg [dreg:$0x1];
	p0 =	sne.s32 s2, $0x0  }
0x6a: {  	s3 =	rddreg [dreg:$0x2];
	[bflag:$0x3] =	sbarrier.arrive $0xFFFF;
	s2 =	simm.s32 @!p0 $0x1C04  }
0x6b: {  	[timem:s3], [sflag:s2] =	dma.local @!p0 [hbm:s0], s1  }
0x6c: {  	s0 =	simm.s32 @!p0 $0x4  }
0x6d: {  	_ =	swait.ge @!p0 [sflag:s0], s1  }
0x6e: {  	s1 =	ssub.s32 @!p0 $0x0, s1;
	[sflag:s0] =	ssyncset.done @!p0 $0x0  }
0x6f: {  	[sflag:s0] =	ssyncadd.s32 @!p0 s1  }
0x70: {  	[bflag:$0x3] =	sbarrier.arrive $0xFFFF  }
0x71: {  	_ =	shalt  }

</sc_bundles>
